<compile_context>
chip_gen: v7x
topology: tpu7x:2x2x1
jax: 0.10.2.dev20260603
libtpu: 0.0.44.dev20260713+nightly
codegen_flags: <defaults>
</compile_context>

<pallas_src>
import functools

import jax
import jax.numpy as jnp
from jax import lax
from jax.experimental import pallas as pl
from jax.experimental.pallas import tpu as pltpu
from jax.experimental.pallas import tpu_sc as plsc

B = 4096 * 200
D = 128
NW = 32
BPW = B // NW
C = 64
STEPS = BPW // C
NBUF = 8
NGROUPS = STEPS // NBUF

_mesh = plsc.VectorSubcoreMesh(core_axis_name="c", subcore_axis_name="s")


@functools.partial(
    pl.kernel,
    mesh=_mesh,
    out_type=jax.ShapeDtypeStruct((B, D), jnp.float32),
    scratch_types=(
        [
            pltpu.VMEM((STEPS, C), jnp.int32),
            pltpu.VMEM((NBUF, C, D), jnp.float32),
            pltpu.VMEM_SHARED((20, D), jnp.float32),
        ]
        + [pltpu.SemaphoreType.DMA for _ in range(2 * NBUF + 1)]
    ),
)
def _emb_lookup(tokens_hbm, table_hbm, out_hbm, idx_v, rows_v, table_sh, *sems):
    gsems = sems[:NBUF]
    wsems = sems[NBUF:2 * NBUF]
    isem = sems[2 * NBUF]
    sid = lax.axis_index("s")
    wid = sid * 2 + lax.axis_index("c")
    base = wid * BPW

    @pl.when(sid == 0)
    def _stage_table():
        pltpu.sync_copy(table_hbm, table_sh)

    pltpu.sync_copy(
        tokens_hbm.at[pl.ds(wid * STEPS, NBUF)], idx_v.at[pl.ds(0, NBUF)]
    )
    pltpu.async_copy(
        tokens_hbm.at[pl.ds(wid * STEPS + NBUF, STEPS - NBUF)],
        idx_v.at[pl.ds(NBUF, STEPS - NBUF)],
        isem,
    )
    plsc.subcore_barrier()

    def group(g, carry):
        goff = base + g * (NBUF * C)

        @pl.when(g == 1)
        def _wait_idx():
            pltpu.make_async_copy(
                tokens_hbm.at[pl.ds(wid * STEPS + NBUF, STEPS - NBUF)],
                idx_v.at[pl.ds(NBUF, STEPS - NBUF)],
                isem,
            ).wait()

        for b in range(NBUF):
            @pl.when(g > 0)
            def _wait_prev_wb(b=b, goff=goff):
                pltpu.make_async_copy(
                    rows_v.at[b], out_hbm.at[pl.ds(goff, C)], wsems[b]
                ).wait()

            pltpu.async_copy(
                table_sh.at[idx_v.at[g * NBUF + b]], rows_v.at[b], gsems[b]
            )
        for b in range(NBUF):
            pltpu.make_async_copy(
                table_sh.at[idx_v.at[g * NBUF + b]], rows_v.at[b], gsems[b]
            ).wait()
            pltpu.async_copy(rows_v.at[b], out_hbm.at[pl.ds(goff + b * C, C)], wsems[b])
        return carry

    lax.fori_loop(0, NGROUPS, group, 0)

    for b in range(NBUF):
        pltpu.make_async_copy(
            rows_v.at[b], out_hbm.at[pl.ds(base, C)], wsems[b]
        ).wait()


def kernel(tokens, embedding):
    flat = tokens.reshape(-1, C).astype(jnp.int32)
    out = _emb_lookup(flat, embedding)
    return out.reshape(tokens.shape + (D,))

# --- scband reference (transcript-rebuilt; emitter-appended) ---
"""Pipeline reference for scband-sequence-embedding-34454227648694 (READ-ONLY COPY).

The authoritative reference and input builder live on the scoring server;
editing this copy changes nothing except your own understanding.
"""

import jax, jax.numpy as jnp
import numpy as np

VOCAB = 20
D_MODEL = 128

def setup_inputs(seed: int = 0) -> dict:
    key = jax.random.key(seed)
    k_tok, k_emb = jax.random.split(key)
    tokens = jax.random.randint(k_tok, (4096, 200), 0, VOCAB, dtype=jnp.int64 if jax.config.jax_enable_x64 else jnp.int32)
    embedding = jax.random.normal(k_emb, (VOCAB, D_MODEL), dtype=jnp.float32)
    return {"tokens": tokens, "embedding": embedding}

def reference(tokens, embedding):
    # Faithful translation of nn.Embedding forward: row gather from table
    return jnp.take(embedding, tokens, axis=0)

if __name__ == "__main__":
    import jax
    _d = setup_inputs()
    print(jax.jit(kernel)(*tuple(_d.values())))

</pallas_src>

<mosaic_0001>
#map = affine_map<(d0, d1) -> (0, 0)>
module attributes {stable_mosaic.version = 14 : i64} {
  func.func @_emb_lookup(%arg0: i32, %arg1: i32, %arg2: memref<12800x64xi32, #tpu.memory_space<hbm>>, %arg3: memref<20x128xf32, #tpu.memory_space<hbm>>, %arg4: memref<819200x128xf32, #tpu.memory_space<hbm>>, %arg5: memref<400x64xi32, #tpu.memory_space<vmem>>, %arg6: memref<8x64x128xf32, #tpu.memory_space<vmem>>, %arg7: memref<20x128xf32, #tpu.memory_space<vmem_shared>>, %arg8: memref<!tpu.dma_semaphore, #tpu.memory_space<semaphore_mem>>, %arg9: memref<!tpu.dma_semaphore, #tpu.memory_space<semaphore_mem>>, %arg10: memref<!tpu.dma_semaphore, #tpu.memory_space<semaphore_mem>>, %arg11: memref<!tpu.dma_semaphore, #tpu.memory_space<semaphore_mem>>, %arg12: memref<!tpu.dma_semaphore, #tpu.memory_space<semaphore_mem>>, %arg13: memref<!tpu.dma_semaphore, #tpu.memory_space<semaphore_mem>>, %arg14: memref<!tpu.dma_semaphore, #tpu.memory_space<semaphore_mem>>, %arg15: memref<!tpu.dma_semaphore, #tpu.memory_space<semaphore_mem>>, %arg16: memref<!tpu.dma_semaphore, #tpu.memory_space<semaphore_mem>>, %arg17: memref<!tpu.dma_semaphore, #tpu.memory_space<semaphore_mem>>, %arg18: memref<!tpu.dma_semaphore, #tpu.memory_space<semaphore_mem>>, %arg19: memref<!tpu.dma_semaphore, #tpu.memory_space<semaphore_mem>>, %arg20: memref<!tpu.dma_semaphore, #tpu.memory_space<semaphore_mem>>, %arg21: memref<!tpu.dma_semaphore, #tpu.memory_space<semaphore_mem>>, %arg22: memref<!tpu.dma_semaphore, #tpu.memory_space<semaphore_mem>>, %arg23: memref<!tpu.dma_semaphore, #tpu.memory_space<semaphore_mem>>, %arg24: memref<!tpu.dma_semaphore, #tpu.memory_space<semaphore_mem>>) attributes {dimension_semantics = [#tpu.dimension_semantics<core_parallel>, #tpu.dimension_semantics<subcore_parallel>], iteration_bounds = array<i64: 2, 16>, scalar_prefetch = 0 : i64, scratch_operands = 20 : i64, tpu.core_type = #tpu.core_type<sc_vector_subcore>, window_params = [{transform_indices = #map}, {transform_indices = #map}, {transform_indices = #map}]} {
    %mul3A = arith.constant 2 : i32
    %mul3A_0 = arith.muli %arg1, %mul3A : i32
    %add3A = arith.addi %mul3A_0, %arg0 : i32
    %mul3A_1 = arith.constant 25600 : i32
    %mul3A_2 = arith.muli %add3A, %mul3A_1 : i32
    %eq3A = arith.constant 0 : i32
    %eq3A_3 = arith.cmpi eq, %arg1, %eq3A : i32
    %convert_element_type3A = arith.extui %eq3A_3 : i1 to i32
    %cond3A = arith.constant 0 : i32
    %cond3A_4 = arith.cmpi ne, %convert_element_type3A, %cond3A : i32
    scf.if %cond3A_4 {
      "tpu.region"() ({
        %run_scoped3A = tpu.sem_alloc : memref<!tpu.dma_semaphore, #tpu.memory_space<semaphore_mem>>
        tpu.enqueue_dma source(%arg3 : memref<20x128xf32, #tpu.memory_space<hbm>>) target(%arg7 : memref<20x128xf32, #tpu.memory_space<vmem_shared>>) target_semaphore(%run_scoped3A : memref<!tpu.dma_semaphore, #tpu.memory_space<semaphore_mem>>)
        tpu.wait_dma2 semaphore(%run_scoped3A : memref<!tpu.dma_semaphore, #tpu.memory_space<semaphore_mem>>) src(%arg3 : memref<20x128xf32, #tpu.memory_space<hbm>>) dst(%arg7 : memref<20x128xf32, #tpu.memory_space<vmem_shared>>)
        tpu.yield
      }) : () -> ()
    } else {
    }
    %mul3A_5 = arith.constant 400 : i32
    %mul3A_6 = arith.muli %add3A, %mul3A_5 : i32
    "tpu.region"() ({
      %run_scoped3A = tpu.sem_alloc : memref<!tpu.dma_semaphore, #tpu.memory_space<semaphore_mem>>
      %dma_start3A_128 = arith.constant 0 : i32
      %dma_start3A_129 = arith.constant 0 : i32
      %dma_start3A_130 = tpu.memref_slice %arg5[%dma_start3A_128, %dma_start3A_129] : memref<400x64xi32, #tpu.memory_space<vmem>> -> memref<8x64xi32, #tpu.memory_space<vmem>>
      %dma_start3A_131 = arith.constant 0 : i32
      %dma_start3A_132 = tpu.memref_slice %arg2[%mul3A_6, %dma_start3A_131] : memref<12800x64xi32, #tpu.memory_space<hbm>> -> memref<8x64xi32, #tpu.memory_space<hbm>>
      %dma_start3A_133 = arith.constant 0 : i32
      %dma_start3A_134 = arith.constant 0 : i32
      %dma_start3A_135 = tpu.memref_slice %arg5[%dma_start3A_133, %dma_start3A_134] : memref<400x64xi32, #tpu.memory_space<vmem>> -> memref<8x64xi32, #tpu.memory_space<vmem>>
      %dma_start3A_136 = arith.constant 0 : i32
      %dma_start3A_137 = tpu.memref_slice %arg2[%mul3A_6, %dma_start3A_136] : memref<12800x64xi32, #tpu.memory_space<hbm>> -> memref<8x64xi32, #tpu.memory_space<hbm>>
      tpu.enqueue_dma source(%dma_start3A_137 : memref<8x64xi32, #tpu.memory_space<hbm>>) target(%dma_start3A_135 : memref<8x64xi32, #tpu.memory_space<vmem>>) target_semaphore(%run_scoped3A : memref<!tpu.dma_semaphore, #tpu.memory_space<semaphore_mem>>)
      %dma_wait3A_138 = arith.constant 0 : i32
      %dma_wait3A_139 = arith.constant 0 : i32
      %dma_wait3A_140 = tpu.memref_slice %arg5[%dma_wait3A_138, %dma_wait3A_139] : memref<400x64xi32, #tpu.memory_space<vmem>> -> memref<8x64xi32, #tpu.memory_space<vmem>>
      %dma_wait3A_141 = arith.constant 0 : i32
      %dma_wait3A_142 = tpu.memref_slice %arg2[%mul3A_6, %dma_wait3A_141] : memref<12800x64xi32, #tpu.memory_space<hbm>> -> memref<8x64xi32, #tpu.memory_space<hbm>>
      %dma_wait3A_143 = arith.constant 0 : i32
      %dma_wait3A_144 = arith.constant 0 : i32
      %dma_wait3A_145 = tpu.memref_slice %arg5[%dma_wait3A_143, %dma_wait3A_144] : memref<400x64xi32, #tpu.memory_space<vmem>> -> memref<8x64xi32, #tpu.memory_space<vmem>>
      %dma_wait3A_146 = arith.constant 0 : i32
      %dma_wait3A_147 = tpu.memref_slice %arg2[%mul3A_6, %dma_wait3A_146] : memref<12800x64xi32, #tpu.memory_space<hbm>> -> memref<8x64xi32, #tpu.memory_space<hbm>>
      tpu.wait_dma2 semaphore(%run_scoped3A : memref<!tpu.dma_semaphore, #tpu.memory_space<semaphore_mem>>) src(%dma_wait3A_147 : memref<8x64xi32, #tpu.memory_space<hbm>>) dst(%dma_wait3A_145 : memref<8x64xi32, #tpu.memory_space<vmem>>)
      tpu.yield
    }) : () -> ()
    %mul3A_7 = arith.constant 400 : i32
    %mul3A_8 = arith.muli %add3A, %mul3A_7 : i32
    %add3A_9 = arith.constant 8 : i32
    %add3A_10 = arith.addi %mul3A_8, %add3A_9 : i32
    %dma_start3A = arith.constant 8 : i32
    %dma_start3A_11 = arith.constant 0 : i32
    %dma_start3A_12 = tpu.memref_slice %arg5[%dma_start3A, %dma_start3A_11] : memref<400x64xi32, #tpu.memory_space<vmem>> -> memref<392x64xi32, #tpu.memory_space<vmem>>
    %dma_start3A_13 = arith.constant 0 : i32
    %dma_start3A_14 = tpu.memref_slice %arg2[%add3A_10, %dma_start3A_13] : memref<12800x64xi32, #tpu.memory_space<hbm>> -> memref<392x64xi32, #tpu.memory_space<hbm>>
    %dma_start3A_15 = arith.constant 8 : i32
    %dma_start3A_16 = arith.constant 0 : i32
    %dma_start3A_17 = tpu.memref_slice %arg5[%dma_start3A_15, %dma_start3A_16] : memref<400x64xi32, #tpu.memory_space<vmem>> -> memref<392x64xi32, #tpu.memory_space<vmem>>
    %dma_start3A_18 = arith.constant 0 : i32
    %dma_start3A_19 = tpu.memref_slice %arg2[%add3A_10, %dma_start3A_18] : memref<12800x64xi32, #tpu.memory_space<hbm>> -> memref<392x64xi32, #tpu.memory_space<hbm>>
    tpu.enqueue_dma source(%dma_start3A_19 : memref<392x64xi32, #tpu.memory_space<hbm>>) target(%dma_start3A_17 : memref<392x64xi32, #tpu.memory_space<vmem>>) target_semaphore(%arg24 : memref<!tpu.dma_semaphore, #tpu.memory_space<semaphore_mem>>)
    %barrier3A = arith.constant 0 : index
    tpu.barrier barrier_id(%barrier3A)
    %scan3A = arith.constant 0 : i32
    %scan3A_20 = arith.constant 0 : i32
    %scan3A_21 = arith.constant 50 : i32
    %scan3A_22 = arith.addi %scan3A_20, %scan3A_21 : i32
    %scan3A_23 = arith.constant 1 : i32
    scf.for %scan3A_128 = %scan3A_20 to %scan3A_22 step %scan3A_23  : i32 {
      %mul3A_129 = arith.constant 512 : i32
      %mul3A_130 = arith.muli %scan3A_128, %mul3A_129 : i32
      %add3A_131 = arith.addi %mul3A_2, %mul3A_130 : i32
      %eq3A_132 = arith.constant 1 : i32
      %eq3A_133 = arith.cmpi eq, %scan3A_128, %eq3A_132 : i32
      %convert_element_type3A_134 = arith.extui %eq3A_133 : i1 to i32
      %cond3A_135 = arith.constant 0 : i32
      %cond3A_136 = arith.cmpi ne, %convert_element_type3A_134, %cond3A_135 : i32
      scf.if %cond3A_136 {
        %mul3A_536 = arith.constant 400 : i32
        %mul3A_537 = arith.muli %add3A, %mul3A_536 : i32
        %add3A_538 = arith.constant 8 : i32
        %add3A_539 = arith.addi %mul3A_537, %add3A_538 : i32
        %dma_wait3A_540 = arith.constant 8 : i32
        %dma_wait3A_541 = arith.constant 0 : i32
        %dma_wait3A_542 = tpu.memref_slice %arg5[%dma_wait3A_540, %dma_wait3A_541] : memref<400x64xi32, #tpu.memory_space<vmem>> -> memref<392x64xi32, #tpu.memory_space<vmem>>
        %dma_wait3A_543 = arith.constant 0 : i32
        %dma_wait3A_544 = tpu.memref_slice %arg2[%add3A_539, %dma_wait3A_543] : memref<12800x64xi32, #tpu.memory_space<hbm>> -> memref<392x64xi32, #tpu.memory_space<hbm>>
        %dma_wait3A_545 = arith.constant 8 : i32
        %dma_wait3A_546 = arith.constant 0 : i32
        %dma_wait3A_547 = tpu.memref_slice %arg5[%dma_wait3A_545, %dma_wait3A_546] : memref<400x64xi32, #tpu.memory_space<vmem>> -> memref<392x64xi32, #tpu.memory_space<vmem>>
        %dma_wait3A_548 = arith.constant 0 : i32
        %dma_wait3A_549 = tpu.memref_slice %arg2[%add3A_539, %dma_wait3A_548] : memref<12800x64xi32, #tpu.memory_space<hbm>> -> memref<392x64xi32, #tpu.memory_space<hbm>>
        tpu.wait_dma2 semaphore(%arg24 : memref<!tpu.dma_semaphore, #tpu.memory_space<semaphore_mem>>) src(%dma_wait3A_549 : memref<392x64xi32, #tpu.memory_space<hbm>>) dst(%dma_wait3A_547 : memref<392x64xi32, #tpu.memory_space<vmem>>)
      } else {
      }
      %gt3A = arith.constant 0 : i32
      %gt3A_137 = arith.cmpi sgt, %scan3A_128, %gt3A : i32
      %convert_element_type3A_138 = arith.extui %gt3A_137 : i1 to i32
      %cond3A_139 = arith.constant 0 : i32
      %cond3A_140 = arith.cmpi ne, %convert_element_type3A_138, %cond3A_139 : i32
      scf.if %cond3A_140 {
        %dma_wait3A_536 = arith.constant 0 : i32
        %dma_wait3A_537 = arith.constant 0 : i32
        %dma_wait3A_538 = arith.constant 0 : i32
        %dma_wait3A_539 = tpu.memref_slice %arg6[%dma_wait3A_536, %dma_wait3A_537, %dma_wait3A_538] : memref<8x64x128xf32, #tpu.memory_space<vmem>> -> memref<1x64x128xf32, #tpu.memory_space<vmem>>
        %dma_wait3A_540 = tpu.memref_squeeze %dma_wait3A_539 : memref<1x64x128xf32, #tpu.memory_space<vmem>> -> memref<64x128xf32, #tpu.memory_space<vmem>>
        %dma_wait3A_541 = arith.constant 0 : i32
        %dma_wait3A_542 = tpu.memref_slice %arg4[%add3A_131, %dma_wait3A_541] : memref<819200x128xf32, #tpu.memory_space<hbm>> -> memref<64x128xf32, #tpu.memory_space<hbm>>
        %dma_wait3A_543 = arith.constant 0 : i32
        %dma_wait3A_544 = tpu.memref_slice %arg4[%add3A_131, %dma_wait3A_543] : memref<819200x128xf32, #tpu.memory_space<hbm>> -> memref<64x128xf32, #tpu.memory_space<hbm>>
        %dma_wait3A_545 = arith.constant 0 : i32
        %dma_wait3A_546 = arith.constant 0 : i32
        %dma_wait3A_547 = tpu.memref_slice %arg6[%dma_wait3A_536, %dma_wait3A_545, %dma_wait3A_546] : memref<8x64x128xf32, #tpu.memory_space<vmem>> -> memref<1x64x128xf32, #tpu.memory_space<vmem>>
        %dma_wait3A_548 = tpu.memref_squeeze %dma_wait3A_547 : memref<1x64x128xf32, #tpu.memory_space<vmem>> -> memref<64x128xf32, #tpu.memory_space<vmem>>
        tpu.wait_dma2 semaphore(%arg16 : memref<!tpu.dma_semaphore, #tpu.memory_space<semaphore_mem>>) src(%dma_wait3A_548 : memref<64x128xf32, #tpu.memory_space<vmem>>) dst(%dma_wait3A_544 : memref<64x128xf32, #tpu.memory_space<hbm>>)
      } else {
      }
      %mul3A_141 = arith.constant 8 : i32
      %mul3A_142 = arith.muli %scan3A_128, %mul3A_141 : i32
      %add3A_143 = arith.constant 0 : i32
      %add3A_144 = arith.addi %mul3A_142, %add3A_143 : i32
      %dma_start3A_145 = arith.constant 0 : i32
      %dma_start3A_146 = arith.constant 0 : i32
      %dma_start3A_147 = arith.constant 0 : i32
      %dma_start3A_148 = tpu.memref_slice %arg6[%dma_start3A_145, %dma_start3A_146, %dma_start3A_147] : memref<8x64x128xf32, #tpu.memory_space<vmem>> -> memref<1x64x128xf32, #tpu.memory_space<vmem>>
      %dma_start3A_149 = tpu.memref_squeeze %dma_start3A_148 : memref<1x64x128xf32, #tpu.memory_space<vmem>> -> memref<64x128xf32, #tpu.memory_space<vmem>>
      %dma_start3A_150 = arith.constant 0 : i32
      %dma_start3A_151 = tpu.memref_slice %arg5[%add3A_144, %dma_start3A_150] : memref<400x64xi32, #tpu.memory_space<vmem>> -> memref<1x64xi32, #tpu.memory_space<vmem>>
      %dma_start3A_152 = tpu.memref_squeeze %dma_start3A_151 : memref<1x64xi32, #tpu.memory_space<vmem>> -> memref<64xi32, #tpu.memory_space<vmem>>
      %dma_start3A_153 = arith.constant 0 : i32
      %dma_start3A_154 = arith.constant 0 : i32
      %dma_start3A_155 = tpu.memref_slice %arg7[%dma_start3A_153, %dma_start3A_154] : memref<20x128xf32, #tpu.memory_space<vmem_shared>> -> memref<20x128xf32, #tpu.memory_space<vmem_shared>>
      tpu.enqueue_indirect_dma source(%dma_start3A_155 : memref<20x128xf32, #tpu.memory_space<vmem_shared>>) target(%dma_start3A_149 : memref<64x128xf32, #tpu.memory_space<vmem>>) offsets(%dma_start3A_152 : memref<64xi32, #tpu.memory_space<vmem>>) semaphore(%arg8 : memref<!tpu.dma_semaphore, #tpu.memory_space<semaphore_mem>>)
      %gt3A_156 = arith.constant 0 : i32
      %gt3A_157 = arith.cmpi sgt, %scan3A_128, %gt3A_156 : i32
      %convert_element_type3A_158 = arith.extui %gt3A_157 : i1 to i32
      %cond3A_159 = arith.constant 0 : i32
      %cond3A_160 = arith.cmpi ne, %convert_element_type3A_158, %cond3A_159 : i32
      scf.if %cond3A_160 {
        %dma_wait3A_536 = arith.constant 1 : i32
        %dma_wait3A_537 = arith.constant 0 : i32
        %dma_wait3A_538 = arith.constant 0 : i32
        %dma_wait3A_539 = tpu.memref_slice %arg6[%dma_wait3A_536, %dma_wait3A_537, %dma_wait3A_538] : memref<8x64x128xf32, #tpu.memory_space<vmem>> -> memref<1x64x128xf32, #tpu.memory_space<vmem>>
        %dma_wait3A_540 = tpu.memref_squeeze %dma_wait3A_539 : memref<1x64x128xf32, #tpu.memory_space<vmem>> -> memref<64x128xf32, #tpu.memory_space<vmem>>
        %dma_wait3A_541 = arith.constant 0 : i32
        %dma_wait3A_542 = tpu.memref_slice %arg4[%add3A_131, %dma_wait3A_541] : memref<819200x128xf32, #tpu.memory_space<hbm>> -> memref<64x128xf32, #tpu.memory_space<hbm>>
        %dma_wait3A_543 = arith.constant 0 : i32
        %dma_wait3A_544 = tpu.memref_slice %arg4[%add3A_131, %dma_wait3A_543] : memref<819200x128xf32, #tpu.memory_space<hbm>> -> memref<64x128xf32, #tpu.memory_space<hbm>>
        %dma_wait3A_545 = arith.constant 0 : i32
        %dma_wait3A_546 = arith.constant 0 : i32
        %dma_wait3A_547 = tpu.memref_slice %arg6[%dma_wait3A_536, %dma_wait3A_545, %dma_wait3A_546] : memref<8x64x128xf32, #tpu.memory_space<vmem>> -> memref<1x64x128xf32, #tpu.memory_space<vmem>>
        %dma_wait3A_548 = tpu.memref_squeeze %dma_wait3A_547 : memref<1x64x128xf32, #tpu.memory_space<vmem>> -> memref<64x128xf32, #tpu.memory_space<vmem>>
        tpu.wait_dma2 semaphore(%arg17 : memref<!tpu.dma_semaphore, #tpu.memory_space<semaphore_mem>>) src(%dma_wait3A_548 : memref<64x128xf32, #tpu.memory_space<vmem>>) dst(%dma_wait3A_544 : memref<64x128xf32, #tpu.memory_space<hbm>>)
      } else {
      }
      %mul3A_161 = arith.constant 8 : i32
      %mul3A_162 = arith.muli %scan3A_128, %mul3A_161 : i32
      %add3A_163 = arith.constant 1 : i32
      %add3A_164 = arith.addi %mul3A_162, %add3A_163 : i32
      %dma_start3A_165 = arith.constant 1 : i32
      %dma_start3A_166 = arith.constant 0 : i32
      %dma_start3A_167 = arith.constant 0 : i32
      %dma_start3A_168 = tpu.memref_slice %arg6[%dma_start3A_165, %dma_start3A_166, %dma_start3A_167] : memref<8x64x128xf32, #tpu.memory_space<vmem>> -> memref<1x64x128xf32, #tpu.memory_space<vmem>>
      %dma_start3A_169 = tpu.memref_squeeze %dma_start3A_168 : memref<1x64x128xf32, #tpu.memory_space<vmem>> -> memref<64x128xf32, #tpu.memory_space<vmem>>
      %dma_start3A_170 = arith.constant 0 : i32
      %dma_start3A_171 = tpu.memref_slice %arg5[%add3A_164, %dma_start3A_170] : memref<400x64xi32, #tpu.memory_space<vmem>> -> memref<1x64xi32, #tpu.memory_space<vmem>>
      %dma_start3A_172 = tpu.memref_squeeze %dma_start3A_171 : memref<1x64xi32, #tpu.memory_space<vmem>> -> memref<64xi32, #tpu.memory_space<vmem>>
      %dma_start3A_173 = arith.constant 0 : i32
      %dma_start3A_174 = arith.constant 0 : i32
      %dma_start3A_175 = tpu.memref_slice %arg7[%dma_start3A_173, %dma_start3A_174] : memref<20x128xf32, #tpu.memory_space<vmem_shared>> -> memref<20x128xf32, #tpu.memory_space<vmem_shared>>
      tpu.enqueue_indirect_dma source(%dma_start3A_175 : memref<20x128xf32, #tpu.memory_space<vmem_shared>>) target(%dma_start3A_169 : memref<64x128xf32, #tpu.memory_space<vmem>>) offsets(%dma_start3A_172 : memref<64xi32, #tpu.memory_space<vmem>>) semaphore(%arg9 : memref<!tpu.dma_semaphore, #tpu.memory_space<semaphore_mem>>)
      %gt3A_176 = arith.constant 0 : i32
      %gt3A_177 = arith.cmpi sgt, %scan3A_128, %gt3A_176 : i32
      %convert_element_type3A_178 = arith.extui %gt3A_177 : i1 to i32
      %cond3A_179 = arith.constant 0 : i32
      %cond3A_180 = arith.cmpi ne, %convert_element_type3A_178, %cond3A_179 : i32
      scf.if %cond3A_180 {
        %dma_wait3A_536 = arith.constant 2 : i32
        %dma_wait3A_537 = arith.constant 0 : i32
        %dma_wait3A_538 = arith.constant 0 : i32
        %dma_wait3A_539 = tpu.memref_slice %arg6[%dma_wait3A_536, %dma_wait3A_537, %dma_wait3A_538] : memref<8x64x128xf32, #tpu.memory_space<vmem>> -> memref<1x64x128xf32, #tpu.memory_space<vmem>>
        %dma_wait3A_540 = tpu.memref_squeeze %dma_wait3A_539 : memref<1x64x128xf32, #tpu.memory_space<vmem>> -> memref<64x128xf32, #tpu.memory_space<vmem>>
        %dma_wait3A_541 = arith.constant 0 : i32
        %dma_wait3A_542 = tpu.memref_slice %arg4[%add3A_131, %dma_wait3A_541] : memref<819200x128xf32, #tpu.memory_space<hbm>> -> memref<64x128xf32, #tpu.memory_space<hbm>>
        %dma_wait3A_543 = arith.constant 0 : i32
        %dma_wait3A_544 = tpu.memref_slice %arg4[%add3A_131, %dma_wait3A_543] : memref<819200x128xf32, #tpu.memory_space<hbm>> -> memref<64x128xf32, #tpu.memory_space<hbm>>
        %dma_wait3A_545 = arith.constant 0 : i32
        %dma_wait3A_546 = arith.constant 0 : i32
        %dma_wait3A_547 = tpu.memref_slice %arg6[%dma_wait3A_536, %dma_wait3A_545, %dma_wait3A_546] : memref<8x64x128xf32, #tpu.memory_space<vmem>> -> memref<1x64x128xf32, #tpu.memory_space<vmem>>
        %dma_wait3A_548 = tpu.memref_squeeze %dma_wait3A_547 : memref<1x64x128xf32, #tpu.memory_space<vmem>> -> memref<64x128xf32, #tpu.memory_space<vmem>>
        tpu.wait_dma2 semaphore(%arg18 : memref<!tpu.dma_semaphore, #tpu.memory_space<semaphore_mem>>) src(%dma_wait3A_548 : memref<64x128xf32, #tpu.memory_space<vmem>>) dst(%dma_wait3A_544 : memref<64x128xf32, #tpu.memory_space<hbm>>)
      } else {
      }
      %mul3A_181 = arith.constant 8 : i32
      %mul3A_182 = arith.muli %scan3A_128, %mul3A_181 : i32
      %add3A_183 = arith.constant 2 : i32
      %add3A_184 = arith.addi %mul3A_182, %add3A_183 : i32
      %dma_start3A_185 = arith.constant 2 : i32
      %dma_start3A_186 = arith.constant 0 : i32
      %dma_start3A_187 = arith.constant 0 : i32
      %dma_start3A_188 = tpu.memref_slice %arg6[%dma_start3A_185, %dma_start3A_186, %dma_start3A_187] : memref<8x64x128xf32, #tpu.memory_space<vmem>> -> memref<1x64x128xf32, #tpu.memory_space<vmem>>
      %dma_start3A_189 = tpu.memref_squeeze %dma_start3A_188 : memref<1x64x128xf32, #tpu.memory_space<vmem>> -> memref<64x128xf32, #tpu.memory_space<vmem>>
      %dma_start3A_190 = arith.constant 0 : i32
      %dma_start3A_191 = tpu.memref_slice %arg5[%add3A_184, %dma_start3A_190] : memref<400x64xi32, #tpu.memory_space<vmem>> -> memref<1x64xi32, #tpu.memory_space<vmem>>
      %dma_start3A_192 = tpu.memref_squeeze %dma_start3A_191 : memref<1x64xi32, #tpu.memory_space<vmem>> -> memref<64xi32, #tpu.memory_space<vmem>>
      %dma_start3A_193 = arith.constant 0 : i32
      %dma_start3A_194 = arith.constant 0 : i32
      %dma_start3A_195 = tpu.memref_slice %arg7[%dma_start3A_193, %dma_start3A_194] : memref<20x128xf32, #tpu.memory_space<vmem_shared>> -> memref<20x128xf32, #tpu.memory_space<vmem_shared>>
      tpu.enqueue_indirect_dma source(%dma_start3A_195 : memref<20x128xf32, #tpu.memory_space<vmem_shared>>) target(%dma_start3A_189 : memref<64x128xf32, #tpu.memory_space<vmem>>) offsets(%dma_start3A_192 : memref<64xi32, #tpu.memory_space<vmem>>) semaphore(%arg10 : memref<!tpu.dma_semaphore, #tpu.memory_space<semaphore_mem>>)
      %gt3A_196 = arith.constant 0 : i32
      %gt3A_197 = arith.cmpi sgt, %scan3A_128, %gt3A_196 : i32
      %convert_element_type3A_198 = arith.extui %gt3A_197 : i1 to i32
      %cond3A_199 = arith.constant 0 : i32
      %cond3A_200 = arith.cmpi ne, %convert_element_type3A_198, %cond3A_199 : i32
      scf.if %cond3A_200 {
        %dma_wait3A_536 = arith.constant 3 : i32
        %dma_wait3A_537 = arith.constant 0 : i32
        %dma_wait3A_538 = arith.constant 0 : i32
        %dma_wait3A_539 = tpu.memref_slice %arg6[%dma_wait3A_536, %dma_wait3A_537, %dma_wait3A_538] : memref<8x64x128xf32, #tpu.memory_space<vmem>> -> memref<1x64x128xf32, #tpu.memory_space<vmem>>
        %dma_wait3A_540 = tpu.memref_squeeze %dma_wait3A_539 : memref<1x64x128xf32, #tpu.memory_space<vmem>> -> memref<64x128xf32, #tpu.memory_space<vmem>>
        %dma_wait3A_541 = arith.constant 0 : i32
        %dma_wait3A_542 = tpu.memref_slice %arg4[%add3A_131, %dma_wait3A_541] : memref<819200x128xf32, #tpu.memory_space<hbm>> -> memref<64x128xf32, #tpu.memory_space<hbm>>
        %dma_wait3A_543 = arith.constant 0 : i32
        %dma_wait3A_544 = tpu.memref_slice %arg4[%add3A_131, %dma_wait3A_543] : memref<819200x128xf32, #tpu.memory_space<hbm>> -> memref<64x128xf32, #tpu.memory_space<hbm>>
        %dma_wait3A_545 = arith.constant 0 : i32
        %dma_wait3A_546 = arith.constant 0 : i32
        %dma_wait3A_547 = tpu.memref_slice %arg6[%dma_wait3A_536, %dma_wait3A_545, %dma_wait3A_546] : memref<8x64x128xf32, #tpu.memory_space<vmem>> -> memref<1x64x128xf32, #tpu.memory_space<vmem>>
        %dma_wait3A_548 = tpu.memref_squeeze %dma_wait3A_547 : memref<1x64x128xf32, #tpu.memory_space<vmem>> -> memref<64x128xf32, #tpu.memory_space<vmem>>
        tpu.wait_dma2 semaphore(%arg19 : memref<!tpu.dma_semaphore, #tpu.memory_space<semaphore_mem>>) src(%dma_wait3A_548 : memref<64x128xf32, #tpu.memory_space<vmem>>) dst(%dma_wait3A_544 : memref<64x128xf32, #tpu.memory_space<hbm>>)
      } else {
      }
      %mul3A_201 = arith.constant 8 : i32
      %mul3A_202 = arith.muli %scan3A_128, %mul3A_201 : i32
      %add3A_203 = arith.constant 3 : i32
      %add3A_204 = arith.addi %mul3A_202, %add3A_203 : i32
      %dma_start3A_205 = arith.constant 3 : i32
      %dma_start3A_206 = arith.constant 0 : i32
      %dma_start3A_207 = arith.constant 0 : i32
      %dma_start3A_208 = tpu.memref_slice %arg6[%dma_start3A_205, %dma_start3A_206, %dma_start3A_207] : memref<8x64x128xf32, #tpu.memory_space<vmem>> -> memref<1x64x128xf32, #tpu.memory_space<vmem>>
      %dma_start3A_209 = tpu.memref_squeeze %dma_start3A_208 : memref<1x64x128xf32, #tpu.memory_space<vmem>> -> memref<64x128xf32, #tpu.memory_space<vmem>>
      %dma_start3A_210 = arith.constant 0 : i32
      %dma_start3A_211 = tpu.memref_slice %arg5[%add3A_204, %dma_start3A_210] : memref<400x64xi32, #tpu.memory_space<vmem>> -> memref<1x64xi32, #tpu.memory_space<vmem>>
      %dma_start3A_212 = tpu.memref_squeeze %dma_start3A_211 : memref<1x64xi32, #tpu.memory_space<vmem>> -> memref<64xi32, #tpu.memory_space<vmem>>
      %dma_start3A_213 = arith.constant 0 : i32
      %dma_start3A_214 = arith.constant 0 : i32
      %dma_start3A_215 = tpu.memref_slice %arg7[%dma_start3A_213, %dma_start3A_214] : memref<20x128xf32, #tpu.memory_space<vmem_shared>> -> memref<20x128xf32, #tpu.memory_space<vmem_shared>>
      tpu.enqueue_indirect_dma source(%dma_start3A_215 : memref<20x128xf32, #tpu.memory_space<vmem_shared>>) target(%dma_start3A_209 : memref<64x128xf32, #tpu.memory_space<vmem>>) offsets(%dma_start3A_212 : memref<64xi32, #tpu.memory_space<vmem>>) semaphore(%arg11 : memref<!tpu.dma_semaphore, #tpu.memory_space<semaphore_mem>>)
      %gt3A_216 = arith.constant 0 : i32
      %gt3A_217 = arith.cmpi sgt, %scan3A_128, %gt3A_216 : i32
      %convert_element_type3A_218 = arith.extui %gt3A_217 : i1 to i32
      %cond3A_219 = arith.constant 0 : i32
      %cond3A_220 = arith.cmpi ne, %convert_element_type3A_218, %cond3A_219 : i32
      scf.if %cond3A_220 {
        %dma_wait3A_536 = arith.constant 4 : i32
        %dma_wait3A_537 = arith.constant 0 : i32
        %dma_wait3A_538 = arith.constant 0 : i32
        %dma_wait3A_539 = tpu.memref_slice %arg6[%dma_wait3A_536, %dma_wait3A_537, %dma_wait3A_538] : memref<8x64x128xf32, #tpu.memory_space<vmem>> -> memref<1x64x128xf32, #tpu.memory_space<vmem>>
        %dma_wait3A_540 = tpu.memref_squeeze %dma_wait3A_539 : memref<1x64x128xf32, #tpu.memory_space<vmem>> -> memref<64x128xf32, #tpu.memory_space<vmem>>
        %dma_wait3A_541 = arith.constant 0 : i32
        %dma_wait3A_542 = tpu.memref_slice %arg4[%add3A_131, %dma_wait3A_541] : memref<819200x128xf32, #tpu.memory_space<hbm>> -> memref<64x128xf32, #tpu.memory_space<hbm>>
        %dma_wait3A_543 = arith.constant 0 : i32
        %dma_wait3A_544 = tpu.memref_slice %arg4[%add3A_131, %dma_wait3A_543] : memref<819200x128xf32, #tpu.memory_space<hbm>> -> memref<64x128xf32, #tpu.memory_space<hbm>>
        %dma_wait3A_545 = arith.constant 0 : i32
        %dma_wait3A_546 = arith.constant 0 : i32
        %dma_wait3A_547 = tpu.memref_slice %arg6[%dma_wait3A_536, %dma_wait3A_545, %dma_wait3A_546] : memref<8x64x128xf32, #tpu.memory_space<vmem>> -> memref<1x64x128xf32, #tpu.memory_space<vmem>>
        %dma_wait3A_548 = tpu.memref_squeeze %dma_wait3A_547 : memref<1x64x128xf32, #tpu.memory_space<vmem>> -> memref<64x128xf32, #tpu.memory_space<vmem>>
        tpu.wait_dma2 semaphore(%arg20 : memref<!tpu.dma_semaphore, #tpu.memory_space<semaphore_mem>>) src(%dma_wait3A_548 : memref<64x128xf32, #tpu.memory_space<vmem>>) dst(%dma_wait3A_544 : memref<64x128xf32, #tpu.memory_space<hbm>>)
      } else {
      }
      %mul3A_221 = arith.constant 8 : i32
      %mul3A_222 = arith.muli %scan3A_128, %mul3A_221 : i32
      %add3A_223 = arith.constant 4 : i32
      %add3A_224 = arith.addi %mul3A_222, %add3A_223 : i32
      %dma_start3A_225 = arith.constant 4 : i32
      %dma_start3A_226 = arith.constant 0 : i32
      %dma_start3A_227 = arith.constant 0 : i32
      %dma_start3A_228 = tpu.memref_slice %arg6[%dma_start3A_225, %dma_start3A_226, %dma_start3A_227] : memref<8x64x128xf32, #tpu.memory_space<vmem>> -> memref<1x64x128xf32, #tpu.memory_space<vmem>>
      %dma_start3A_229 = tpu.memref_squeeze %dma_start3A_228 : memref<1x64x128xf32, #tpu.memory_space<vmem>> -> memref<64x128xf32, #tpu.memory_space<vmem>>
      %dma_start3A_230 = arith.constant 0 : i32
      %dma_start3A_231 = tpu.memref_slice %arg5[%add3A_224, %dma_start3A_230] : memref<400x64xi32, #tpu.memory_space<vmem>> -> memref<1x64xi32, #tpu.memory_space<vmem>>
      %dma_start3A_232 = tpu.memref_squeeze %dma_start3A_231 : memref<1x64xi32, #tpu.memory_space<vmem>> -> memref<64xi32, #tpu.memory_space<vmem>>
      %dma_start3A_233 = arith.constant 0 : i32
      %dma_start3A_234 = arith.constant 0 : i32
      %dma_start3A_235 = tpu.memref_slice %arg7[%dma_start3A_233, %dma_start3A_234] : memref<20x128xf32, #tpu.memory_space<vmem_shared>> -> memref<20x128xf32, #tpu.memory_space<vmem_shared>>
      tpu.enqueue_indirect_dma source(%dma_start3A_235 : memref<20x128xf32, #tpu.memory_space<vmem_shared>>) target(%dma_start3A_229 : memref<64x128xf32, #tpu.memory_space<vmem>>) offsets(%dma_start3A_232 : memref<64xi32, #tpu.memory_space<vmem>>) semaphore(%arg12 : memref<!tpu.dma_semaphore, #tpu.memory_space<semaphore_mem>>)
      %gt3A_236 = arith.constant 0 : i32
      %gt3A_237 = arith.cmpi sgt, %scan3A_128, %gt3A_236 : i32
      %convert_element_type3A_238 = arith.extui %gt3A_237 : i1 to i32
      %cond3A_239 = arith.constant 0 : i32
      %cond3A_240 = arith.cmpi ne, %convert_element_type3A_238, %cond3A_239 : i32
      scf.if %cond3A_240 {
        %dma_wait3A_536 = arith.constant 5 : i32
        %dma_wait3A_537 = arith.constant 0 : i32
        %dma_wait3A_538 = arith.constant 0 : i32
        %dma_wait3A_539 = tpu.memref_slice %arg6[%dma_wait3A_536, %dma_wait3A_537, %dma_wait3A_538] : memref<8x64x128xf32, #tpu.memory_space<vmem>> -> memref<1x64x128xf32, #tpu.memory_space<vmem>>
        %dma_wait3A_540 = tpu.memref_squeeze %dma_wait3A_539 : memref<1x64x128xf32, #tpu.memory_space<vmem>> -> memref<64x128xf32, #tpu.memory_space<vmem>>
        %dma_wait3A_541 = arith.constant 0 : i32
        %dma_wait3A_542 = tpu.memref_slice %arg4[%add3A_131, %dma_wait3A_541] : memref<819200x128xf32, #tpu.memory_space<hbm>> -> memref<64x128xf32, #tpu.memory_space<hbm>>
        %dma_wait3A_543 = arith.constant 0 : i32
        %dma_wait3A_544 = tpu.memref_slice %arg4[%add3A_131, %dma_wait3A_543] : memref<819200x128xf32, #tpu.memory_space<hbm>> -> memref<64x128xf32, #tpu.memory_space<hbm>>
        %dma_wait3A_545 = arith.constant 0 : i32
        %dma_wait3A_546 = arith.constant 0 : i32
        %dma_wait3A_547 = tpu.memref_slice %arg6[%dma_wait3A_536, %dma_wait3A_545, %dma_wait3A_546] : memref<8x64x128xf32, #tpu.memory_space<vmem>> -> memref<1x64x128xf32, #tpu.memory_space<vmem>>
        %dma_wait3A_548 = tpu.memref_squeeze %dma_wait3A_547 : memref<1x64x128xf32, #tpu.memory_space<vmem>> -> memref<64x128xf32, #tpu.memory_space<vmem>>
        tpu.wait_dma2 semaphore(%arg21 : memref<!tpu.dma_semaphore, #tpu.memory_space<semaphore_mem>>) src(%dma_wait3A_548 : memref<64x128xf32, #tpu.memory_space<vmem>>) dst(%dma_wait3A_544 : memref<64x128xf32, #tpu.memory_space<hbm>>)
      } else {
      }
      %mul3A_241 = arith.constant 8 : i32
      %mul3A_242 = arith.muli %scan3A_128, %mul3A_241 : i32
      %add3A_243 = arith.constant 5 : i32
      %add3A_244 = arith.addi %mul3A_242, %add3A_243 : i32
      %dma_start3A_245 = arith.constant 5 : i32
      %dma_start3A_246 = arith.constant 0 : i32
      %dma_start3A_247 = arith.constant 0 : i32
      %dma_start3A_248 = tpu.memref_slice %arg6[%dma_start3A_245, %dma_start3A_246, %dma_start3A_247] : memref<8x64x128xf32, #tpu.memory_space<vmem>> -> memref<1x64x128xf32, #tpu.memory_space<vmem>>
      %dma_start3A_249 = tpu.memref_squeeze %dma_start3A_248 : memref<1x64x128xf32, #tpu.memory_space<vmem>> -> memref<64x128xf32, #tpu.memory_space<vmem>>
      %dma_start3A_250 = arith.constant 0 : i32
      %dma_start3A_251 = tpu.memref_slice %arg5[%add3A_244, %dma_start3A_250] : memref<400x64xi32, #tpu.memory_space<vmem>> -> memref<1x64xi32, #tpu.memory_space<vmem>>
      %dma_start3A_252 = tpu.memref_squeeze %dma_start3A_251 : memref<1x64xi32, #tpu.memory_space<vmem>> -> memref<64xi32, #tpu.memory_space<vmem>>
      %dma_start3A_253 = arith.constant 0 : i32
      %dma_start3A_254 = arith.constant 0 : i32
      %dma_start3A_255 = tpu.memref_slice %arg7[%dma_start3A_253, %dma_start3A_254] : memref<20x128xf32, #tpu.memory_space<vmem_shared>> -> memref<20x128xf32, #tpu.memory_space<vmem_shared>>
      tpu.enqueue_indirect_dma source(%dma_start3A_255 : memref<20x128xf32, #tpu.memory_space<vmem_shared>>) target(%dma_start3A_249 : memref<64x128xf32, #tpu.memory_space<vmem>>) offsets(%dma_start3A_252 : memref<64xi32, #tpu.memory_space<vmem>>) semaphore(%arg13 : memref<!tpu.dma_semaphore, #tpu.memory_space<semaphore_mem>>)
      %gt3A_256 = arith.constant 0 : i32
      %gt3A_257 = arith.cmpi sgt, %scan3A_128, %gt3A_256 : i32
      %convert_element_type3A_258 = arith.extui %gt3A_257 : i1 to i32
      %cond3A_259 = arith.constant 0 : i32
      %cond3A_260 = arith.cmpi ne, %convert_element_type3A_258, %cond3A_259 : i32
      scf.if %cond3A_260 {
        %dma_wait3A_536 = arith.constant 6 : i32
        %dma_wait3A_537 = arith.constant 0 : i32
        %dma_wait3A_538 = arith.constant 0 : i32
        %dma_wait3A_539 = tpu.memref_slice %arg6[%dma_wait3A_536, %dma_wait3A_537, %dma_wait3A_538] : memref<8x64x128xf32, #tpu.memory_space<vmem>> -> memref<1x64x128xf32, #tpu.memory_space<vmem>>
        %dma_wait3A_540 = tpu.memref_squeeze %dma_wait3A_539 : memref<1x64x128xf32, #tpu.memory_space<vmem>> -> memref<64x128xf32, #tpu.memory_space<vmem>>
        %dma_wait3A_541 = arith.constant 0 : i32
        %dma_wait3A_542 = tpu.memref_slice %arg4[%add3A_131, %dma_wait3A_541] : memref<819200x128xf32, #tpu.memory_space<hbm>> -> memref<64x128xf32, #tpu.memory_space<hbm>>
        %dma_wait3A_543 = arith.constant 0 : i32
        %dma_wait3A_544 = tpu.memref_slice %arg4[%add3A_131, %dma_wait3A_543] : memref<819200x128xf32, #tpu.memory_space<hbm>> -> memref<64x128xf32, #tpu.memory_space<hbm>>
        %dma_wait3A_545 = arith.constant 0 : i32
        %dma_wait3A_546 = arith.constant 0 : i32
        %dma_wait3A_547 = tpu.memref_slice %arg6[%dma_wait3A_536, %dma_wait3A_545, %dma_wait3A_546] : memref<8x64x128xf32, #tpu.memory_space<vmem>> -> memref<1x64x128xf32, #tpu.memory_space<vmem>>
        %dma_wait3A_548 = tpu.memref_squeeze %dma_wait3A_547 : memref<1x64x128xf32, #tpu.memory_space<vmem>> -> memref<64x128xf32, #tpu.memory_space<vmem>>
        tpu.wait_dma2 semaphore(%arg22 : memref<!tpu.dma_semaphore, #tpu.memory_space<semaphore_mem>>) src(%dma_wait3A_548 : memref<64x128xf32, #tpu.memory_space<vmem>>) dst(%dma_wait3A_544 : memref<64x128xf32, #tpu.memory_space<hbm>>)
      } else {
      }
      %mul3A_261 = arith.constant 8 : i32
      %mul3A_262 = arith.muli %scan3A_128, %mul3A_261 : i32
      %add3A_263 = arith.constant 6 : i32
      %add3A_264 = arith.addi %mul3A_262, %add3A_263 : i32
      %dma_start3A_265 = arith.constant 6 : i32
      %dma_start3A_266 = arith.constant 0 : i32
      %dma_start3A_267 = arith.constant 0 : i32
      %dma_start3A_268 = tpu.memref_slice %arg6[%dma_start3A_265, %dma_start3A_266, %dma_start3A_267] : memref<8x64x128xf32, #tpu.memory_space<vmem>> -> memref<1x64x128xf32, #tpu.memory_space<vmem>>
      %dma_start3A_269 = tpu.memref_squeeze %dma_start3A_268 : memref<1x64x128xf32, #tpu.memory_space<vmem>> -> memref<64x128xf32, #tpu.memory_space<vmem>>
      %dma_start3A_270 = arith.constant 0 : i32
      %dma_start3A_271 = tpu.memref_slice %arg5[%add3A_264, %dma_start3A_270] : memref<400x64xi32, #tpu.memory_space<vmem>> -> memref<1x64xi32, #tpu.memory_space<vmem>>
      %dma_start3A_272 = tpu.memref_squeeze %dma_start3A_271 : memref<1x64xi32, #tpu.memory_space<vmem>> -> memref<64xi32, #tpu.memory_space<vmem>>
      %dma_start3A_273 = arith.constant 0 : i32
      %dma_start3A_274 = arith.constant 0 : i32
      %dma_start3A_275 = tpu.memref_slice %arg7[%dma_start3A_273, %dma_start3A_274] : memref<20x128xf32, #tpu.memory_space<vmem_shared>> -> memref<20x128xf32, #tpu.memory_space<vmem_shared>>
      tpu.enqueue_indirect_dma source(%dma_start3A_275 : memref<20x128xf32, #tpu.memory_space<vmem_shared>>) target(%dma_start3A_269 : memref<64x128xf32, #tpu.memory_space<vmem>>) offsets(%dma_start3A_272 : memref<64xi32, #tpu.memory_space<vmem>>) semaphore(%arg14 : memref<!tpu.dma_semaphore, #tpu.memory_space<semaphore_mem>>)
      %gt3A_276 = arith.constant 0 : i32
      %gt3A_277 = arith.cmpi sgt, %scan3A_128, %gt3A_276 : i32
      %convert_element_type3A_278 = arith.extui %gt3A_277 : i1 to i32
      %cond3A_279 = arith.constant 0 : i32
      %cond3A_280 = arith.cmpi ne, %convert_element_type3A_278, %cond3A_279 : i32
      scf.if %cond3A_280 {
        %dma_wait3A_536 = arith.constant 7 : i32
        %dma_wait3A_537 = arith.constant 0 : i32
        %dma_wait3A_538 = arith.constant 0 : i32
        %dma_wait3A_539 = tpu.memref_slice %arg6[%dma_wait3A_536, %dma_wait3A_537, %dma_wait3A_538] : memref<8x64x128xf32, #tpu.memory_space<vmem>> -> memref<1x64x128xf32, #tpu.memory_space<vmem>>
        %dma_wait3A_540 = tpu.memref_squeeze %dma_wait3A_539 : memref<1x64x128xf32, #tpu.memory_space<vmem>> -> memref<64x128xf32, #tpu.memory_space<vmem>>
        %dma_wait3A_541 = arith.constant 0 : i32
        %dma_wait3A_542 = tpu.memref_slice %arg4[%add3A_131, %dma_wait3A_541] : memref<819200x128xf32, #tpu.memory_space<hbm>> -> memref<64x128xf32, #tpu.memory_space<hbm>>
        %dma_wait3A_543 = arith.constant 0 : i32
        %dma_wait3A_544 = tpu.memref_slice %arg4[%add3A_131, %dma_wait3A_543] : memref<819200x128xf32, #tpu.memory_space<hbm>> -> memref<64x128xf32, #tpu.memory_space<hbm>>
        %dma_wait3A_545 = arith.constant 0 : i32
        %dma_wait3A_546 = arith.constant 0 : i32
        %dma_wait3A_547 = tpu.memref_slice %arg6[%dma_wait3A_536, %dma_wait3A_545, %dma_wait3A_546] : memref<8x64x128xf32, #tpu.memory_space<vmem>> -> memref<1x64x128xf32, #tpu.memory_space<vmem>>
        %dma_wait3A_548 = tpu.memref_squeeze %dma_wait3A_547 : memref<1x64x128xf32, #tpu.memory_space<vmem>> -> memref<64x128xf32, #tpu.memory_space<vmem>>
        tpu.wait_dma2 semaphore(%arg23 : memref<!tpu.dma_semaphore, #tpu.memory_space<semaphore_mem>>) src(%dma_wait3A_548 : memref<64x128xf32, #tpu.memory_space<vmem>>) dst(%dma_wait3A_544 : memref<64x128xf32, #tpu.memory_space<hbm>>)
      } else {
      }
      %mul3A_281 = arith.constant 8 : i32
      %mul3A_282 = arith.muli %scan3A_128, %mul3A_281 : i32
      %add3A_283 = arith.constant 7 : i32
      %add3A_284 = arith.addi %mul3A_282, %add3A_283 : i32
      %dma_start3A_285 = arith.constant 7 : i32
      %dma_start3A_286 = arith.constant 0 : i32
      %dma_start3A_287 = arith.constant 0 : i32
      %dma_start3A_288 = tpu.memref_slice %arg6[%dma_start3A_285, %dma_start3A_286, %dma_start3A_287] : memref<8x64x128xf32, #tpu.memory_space<vmem>> -> memref<1x64x128xf32, #tpu.memory_space<vmem>>
      %dma_start3A_289 = tpu.memref_squeeze %dma_start3A_288 : memref<1x64x128xf32, #tpu.memory_space<vmem>> -> memref<64x128xf32, #tpu.memory_space<vmem>>
      %dma_start3A_290 = arith.constant 0 : i32
      %dma_start3A_291 = tpu.memref_slice %arg5[%add3A_284, %dma_start3A_290] : memref<400x64xi32, #tpu.memory_space<vmem>> -> memref<1x64xi32, #tpu.memory_space<vmem>>
      %dma_start3A_292 = tpu.memref_squeeze %dma_start3A_291 : memref<1x64xi32, #tpu.memory_space<vmem>> -> memref<64xi32, #tpu.memory_space<vmem>>
      %dma_start3A_293 = arith.constant 0 : i32
      %dma_start3A_294 = arith.constant 0 : i32
      %dma_start3A_295 = tpu.memref_slice %arg7[%dma_start3A_293, %dma_start3A_294] : memref<20x128xf32, #tpu.memory_space<vmem_shared>> -> memref<20x128xf32, #tpu.memory_space<vmem_shared>>
      tpu.enqueue_indirect_dma source(%dma_start3A_295 : memref<20x128xf32, #tpu.memory_space<vmem_shared>>) target(%dma_start3A_289 : memref<64x128xf32, #tpu.memory_space<vmem>>) offsets(%dma_start3A_292 : memref<64xi32, #tpu.memory_space<vmem>>) semaphore(%arg15 : memref<!tpu.dma_semaphore, #tpu.memory_space<semaphore_mem>>)
      %mul3A_296 = arith.constant 8 : i32
      %mul3A_297 = arith.muli %scan3A_128, %mul3A_296 : i32
      %add3A_298 = arith.constant 0 : i32
      %add3A_299 = arith.addi %mul3A_297, %add3A_298 : i32
      %dma_wait3A_300 = arith.constant 0 : i32
      %dma_wait3A_301 = arith.constant 0 : i32
      %dma_wait3A_302 = arith.constant 0 : i32
      %dma_wait3A_303 = tpu.memref_slice %arg6[%dma_wait3A_300, %dma_wait3A_301, %dma_wait3A_302] : memref<8x64x128xf32, #tpu.memory_space<vmem>> -> memref<1x64x128xf32, #tpu.memory_space<vmem>>
      %dma_wait3A_304 = tpu.memref_squeeze %dma_wait3A_303 : memref<1x64x128xf32, #tpu.memory_space<vmem>> -> memref<64x128xf32, #tpu.memory_space<vmem>>
      %dma_wait3A_305 = arith.constant 0 : i32
      %dma_wait3A_306 = tpu.memref_slice %arg5[%add3A_299, %dma_wait3A_305] : memref<400x64xi32, #tpu.memory_space<vmem>> -> memref<1x64xi32, #tpu.memory_space<vmem>>
      %dma_wait3A_307 = tpu.memref_squeeze %dma_wait3A_306 : memref<1x64xi32, #tpu.memory_space<vmem>> -> memref<64xi32, #tpu.memory_space<vmem>>
      %dma_wait3A_308 = arith.constant 0 : i32
      %dma_wait3A_309 = arith.constant 0 : i32
      %dma_wait3A_310 = tpu.memref_slice %arg7[%dma_wait3A_308, %dma_wait3A_309] : memref<20x128xf32, #tpu.memory_space<vmem_shared>> -> memref<20x128xf32, #tpu.memory_space<vmem_shared>>
      tpu.wait_indirect_dma semaphore(%arg8 : memref<!tpu.dma_semaphore, #tpu.memory_space<semaphore_mem>>) src(%dma_wait3A_310 : memref<20x128xf32, #tpu.memory_space<vmem_shared>>) dst(%dma_wait3A_304 : memref<64x128xf32, #tpu.memory_space<vmem>>)
      %add3A_311 = arith.constant 0 : i32
      %add3A_312 = arith.addi %add3A_131, %add3A_311 : i32
      %dma_start3A_313 = arith.constant 0 : i32
      %dma_start3A_314 = arith.constant 0 : i32
      %dma_start3A_315 = arith.constant 0 : i32
      %dma_start3A_316 = tpu.memref_slice %arg6[%dma_start3A_313, %dma_start3A_314, %dma_start3A_315] : memref<8x64x128xf32, #tpu.memory_space<vmem>> -> memref<1x64x128xf32, #tpu.memory_space<vmem>>
      %dma_start3A_317 = tpu.memref_squeeze %dma_start3A_316 : memref<1x64x128xf32, #tpu.memory_space<vmem>> -> memref<64x128xf32, #tpu.memory_space<vmem>>
      %dma_start3A_318 = arith.constant 0 : i32
      %dma_start3A_319 = tpu.memref_slice %arg4[%add3A_312, %dma_start3A_318] : memref<819200x128xf32, #tpu.memory_space<hbm>> -> memref<64x128xf32, #tpu.memory_space<hbm>>
      %dma_start3A_320 = arith.constant 0 : i32
      %dma_start3A_321 = tpu.memref_slice %arg4[%add3A_312, %dma_start3A_320] : memref<819200x128xf32, #tpu.memory_space<hbm>> -> memref<64x128xf32, #tpu.memory_space<hbm>>
      %dma_start3A_322 = arith.constant 0 : i32
      %dma_start3A_323 = arith.constant 0 : i32
      %dma_start3A_324 = tpu.memref_slice %arg6[%dma_start3A_313, %dma_start3A_322, %dma_start3A_323] : memref<8x64x128xf32, #tpu.memory_space<vmem>> -> memref<1x64x128xf32, #tpu.memory_space<vmem>>
      %dma_start3A_325 = tpu.memref_squeeze %dma_start3A_324 : memref<1x64x128xf32, #tpu.memory_space<vmem>> -> memref<64x128xf32, #tpu.memory_space<vmem>>
      tpu.enqueue_dma source(%dma_start3A_325 : memref<64x128xf32, #tpu.memory_space<vmem>>) target(%dma_start3A_321 : memref<64x128xf32, #tpu.memory_space<hbm>>) target_semaphore(%arg16 : memref<!tpu.dma_semaphore, #tpu.memory_space<semaphore_mem>>)
      %mul3A_326 = arith.constant 8 : i32
      %mul3A_327 = arith.muli %scan3A_128, %mul3A_326 : i32
      %add3A_328 = arith.constant 1 : i32
      %add3A_329 = arith.addi %mul3A_327, %add3A_328 : i32
      %dma_wait3A_330 = arith.constant 1 : i32
      %dma_wait3A_331 = arith.constant 0 : i32
      %dma_wait3A_332 = arith.constant 0 : i32
      %dma_wait3A_333 = tpu.memref_slice %arg6[%dma_wait3A_330, %dma_wait3A_331, %dma_wait3A_332] : memref<8x64x128xf32, #tpu.memory_space<vmem>> -> memref<1x64x128xf32, #tpu.memory_space<vmem>>
      %dma_wait3A_334 = tpu.memref_squeeze %dma_wait3A_333 : memref<1x64x128xf32, #tpu.memory_space<vmem>> -> memref<64x128xf32, #tpu.memory_space<vmem>>
      %dma_wait3A_335 = arith.constant 0 : i32
      %dma_wait3A_336 = tpu.memref_slice %arg5[%add3A_329, %dma_wait3A_335] : memref<400x64xi32, #tpu.memory_space<vmem>> -> memref<1x64xi32, #tpu.memory_space<vmem>>
      %dma_wait3A_337 = tpu.memref_squeeze %dma_wait3A_336 : memref<1x64xi32, #tpu.memory_space<vmem>> -> memref<64xi32, #tpu.memory_space<vmem>>
      %dma_wait3A_338 = arith.constant 0 : i32
      %dma_wait3A_339 = arith.constant 0 : i32
      %dma_wait3A_340 = tpu.memref_slice %arg7[%dma_wait3A_338, %dma_wait3A_339] : memref<20x128xf32, #tpu.memory_space<vmem_shared>> -> memref<20x128xf32, #tpu.memory_space<vmem_shared>>
      tpu.wait_indirect_dma semaphore(%arg9 : memref<!tpu.dma_semaphore, #tpu.memory_space<semaphore_mem>>) src(%dma_wait3A_340 : memref<20x128xf32, #tpu.memory_space<vmem_shared>>) dst(%dma_wait3A_334 : memref<64x128xf32, #tpu.memory_space<vmem>>)
      %add3A_341 = arith.constant 64 : i32
      %add3A_342 = arith.addi %add3A_131, %add3A_341 : i32
      %dma_start3A_343 = arith.constant 1 : i32
      %dma_start3A_344 = arith.constant 0 : i32
      %dma_start3A_345 = arith.constant 0 : i32
      %dma_start3A_346 = tpu.memref_slice %arg6[%dma_start3A_343, %dma_start3A_344, %dma_start3A_345] : memref<8x64x128xf32, #tpu.memory_space<vmem>> -> memref<1x64x128xf32, #tpu.memory_space<vmem>>
      %dma_start3A_347 = tpu.memref_squeeze %dma_start3A_346 : memref<1x64x128xf32, #tpu.memory_space<vmem>> -> memref<64x128xf32, #tpu.memory_space<vmem>>
      %dma_start3A_348 = arith.constant 0 : i32
      %dma_start3A_349 = tpu.memref_slice %arg4[%add3A_342, %dma_start3A_348] : memref<819200x128xf32, #tpu.memory_space<hbm>> -> memref<64x128xf32, #tpu.memory_space<hbm>>
      %dma_start3A_350 = arith.constant 0 : i32
      %dma_start3A_351 = tpu.memref_slice %arg4[%add3A_342, %dma_start3A_350] : memref<819200x128xf32, #tpu.memory_space<hbm>> -> memref<64x128xf32, #tpu.memory_space<hbm>>
      %dma_start3A_352 = arith.constant 0 : i32
      %dma_start3A_353 = arith.constant 0 : i32
      %dma_start3A_354 = tpu.memref_slice %arg6[%dma_start3A_343, %dma_start3A_352, %dma_start3A_353] : memref<8x64x128xf32, #tpu.memory_space<vmem>> -> memref<1x64x128xf32, #tpu.memory_space<vmem>>
      %dma_start3A_355 = tpu.memref_squeeze %dma_start3A_354 : memref<1x64x128xf32, #tpu.memory_space<vmem>> -> memref<64x128xf32, #tpu.memory_space<vmem>>
      tpu.enqueue_dma source(%dma_start3A_355 : memref<64x128xf32, #tpu.memory_space<vmem>>) target(%dma_start3A_351 : memref<64x128xf32, #tpu.memory_space<hbm>>) target_semaphore(%arg17 : memref<!tpu.dma_semaphore, #tpu.memory_space<semaphore_mem>>)
      %mul3A_356 = arith.constant 8 : i32
      %mul3A_357 = arith.muli %scan3A_128, %mul3A_356 : i32
      %add3A_358 = arith.constant 2 : i32
      %add3A_359 = arith.addi %mul3A_357, %add3A_358 : i32
      %dma_wait3A_360 = arith.constant 2 : i32
      %dma_wait3A_361 = arith.constant 0 : i32
      %dma_wait3A_362 = arith.constant 0 : i32
      %dma_wait3A_363 = tpu.memref_slice %arg6[%dma_wait3A_360, %dma_wait3A_361, %dma_wait3A_362] : memref<8x64x128xf32, #tpu.memory_space<vmem>> -> memref<1x64x128xf32, #tpu.memory_space<vmem>>
      %dma_wait3A_364 = tpu.memref_squeeze %dma_wait3A_363 : memref<1x64x128xf32, #tpu.memory_space<vmem>> -> memref<64x128xf32, #tpu.memory_space<vmem>>
      %dma_wait3A_365 = arith.constant 0 : i32
      %dma_wait3A_366 = tpu.memref_slice %arg5[%add3A_359, %dma_wait3A_365] : memref<400x64xi32, #tpu.memory_space<vmem>> -> memref<1x64xi32, #tpu.memory_space<vmem>>
      %dma_wait3A_367 = tpu.memref_squeeze %dma_wait3A_366 : memref<1x64xi32, #tpu.memory_space<vmem>> -> memref<64xi32, #tpu.memory_space<vmem>>
      %dma_wait3A_368 = arith.constant 0 : i32
      %dma_wait3A_369 = arith.constant 0 : i32
      %dma_wait3A_370 = tpu.memref_slice %arg7[%dma_wait3A_368, %dma_wait3A_369] : memref<20x128xf32, #tpu.memory_space<vmem_shared>> -> memref<20x128xf32, #tpu.memory_space<vmem_shared>>
      tpu.wait_indirect_dma semaphore(%arg10 : memref<!tpu.dma_semaphore, #tpu.memory_space<semaphore_mem>>) src(%dma_wait3A_370 : memref<20x128xf32, #tpu.memory_space<vmem_shared>>) dst(%dma_wait3A_364 : memref<64x128xf32, #tpu.memory_space<vmem>>)
      %add3A_371 = arith.constant 128 : i32
      %add3A_372 = arith.addi %add3A_131, %add3A_371 : i32
      %dma_start3A_373 = arith.constant 2 : i32
      %dma_start3A_374 = arith.constant 0 : i32
      %dma_start3A_375 = arith.constant 0 : i32
      %dma_start3A_376 = tpu.memref_slice %arg6[%dma_start3A_373, %dma_start3A_374, %dma_start3A_375] : memref<8x64x128xf32, #tpu.memory_space<vmem>> -> memref<1x64x128xf32, #tpu.memory_space<vmem>>
      %dma_start3A_377 = tpu.memref_squeeze %dma_start3A_376 : memref<1x64x128xf32, #tpu.memory_space<vmem>> -> memref<64x128xf32, #tpu.memory_space<vmem>>
      %dma_start3A_378 = arith.constant 0 : i32
      %dma_start3A_379 = tpu.memref_slice %arg4[%add3A_372, %dma_start3A_378] : memref<819200x128xf32, #tpu.memory_space<hbm>> -> memref<64x128xf32, #tpu.memory_space<hbm>>
      %dma_start3A_380 = arith.constant 0 : i32
      %dma_start3A_381 = tpu.memref_slice %arg4[%add3A_372, %dma_start3A_380] : memref<819200x128xf32, #tpu.memory_space<hbm>> -> memref<64x128xf32, #tpu.memory_space<hbm>>
      %dma_start3A_382 = arith.constant 0 : i32
      %dma_start3A_383 = arith.constant 0 : i32
      %dma_start3A_384 = tpu.memref_slice %arg6[%dma_start3A_373, %dma_start3A_382, %dma_start3A_383] : memref<8x64x128xf32, #tpu.memory_space<vmem>> -> memref<1x64x128xf32, #tpu.memory_space<vmem>>
      %dma_start3A_385 = tpu.memref_squeeze %dma_start3A_384 : memref<1x64x128xf32, #tpu.memory_space<vmem>> -> memref<64x128xf32, #tpu.memory_space<vmem>>
      tpu.enqueue_dma source(%dma_start3A_385 : memref<64x128xf32, #tpu.memory_space<vmem>>) target(%dma_start3A_381 : memref<64x128xf32, #tpu.memory_space<hbm>>) target_semaphore(%arg18 : memref<!tpu.dma_semaphore, #tpu.memory_space<semaphore_mem>>)
      %mul3A_386 = arith.constant 8 : i32
      %mul3A_387 = arith.muli %scan3A_128, %mul3A_386 : i32
      %add3A_388 = arith.constant 3 : i32
      %add3A_389 = arith.addi %mul3A_387, %add3A_388 : i32
      %dma_wait3A_390 = arith.constant 3 : i32
      %dma_wait3A_391 = arith.constant 0 : i32
      %dma_wait3A_392 = arith.constant 0 : i32
      %dma_wait3A_393 = tpu.memref_slice %arg6[%dma_wait3A_390, %dma_wait3A_391, %dma_wait3A_392] : memref<8x64x128xf32, #tpu.memory_space<vmem>> -> memref<1x64x128xf32, #tpu.memory_space<vmem>>
      %dma_wait3A_394 = tpu.memref_squeeze %dma_wait3A_393 : memref<1x64x128xf32, #tpu.memory_space<vmem>> -> memref<64x128xf32, #tpu.memory_space<vmem>>
      %dma_wait3A_395 = arith.constant 0 : i32
      %dma_wait3A_396 = tpu.memref_slice %arg5[%add3A_389, %dma_wait3A_395] : memref<400x64xi32, #tpu.memory_space<vmem>> -> memref<1x64xi32, #tpu.memory_space<vmem>>
      %dma_wait3A_397 = tpu.memref_squeeze %dma_wait3A_396 : memref<1x64xi32, #tpu.memory_space<vmem>> -> memref<64xi32, #tpu.memory_space<vmem>>
      %dma_wait3A_398 = arith.constant 0 : i32
      %dma_wait3A_399 = arith.constant 0 : i32
      %dma_wait3A_400 = tpu.memref_slice %arg7[%dma_wait3A_398, %dma_wait3A_399] : memref<20x128xf32, #tpu.memory_space<vmem_shared>> -> memref<20x128xf32, #tpu.memory_space<vmem_shared>>
      tpu.wait_indirect_dma semaphore(%arg11 : memref<!tpu.dma_semaphore, #tpu.memory_space<semaphore_mem>>) src(%dma_wait3A_400 : memref<20x128xf32, #tpu.memory_space<vmem_shared>>) dst(%dma_wait3A_394 : memref<64x128xf32, #tpu.memory_space<vmem>>)
      %add3A_401 = arith.constant 192 : i32
      %add3A_402 = arith.addi %add3A_131, %add3A_401 : i32
      %dma_start3A_403 = arith.constant 3 : i32
      %dma_start3A_404 = arith.constant 0 : i32
      %dma_start3A_405 = arith.constant 0 : i32
      %dma_start3A_406 = tpu.memref_slice %arg6[%dma_start3A_403, %dma_start3A_404, %dma_start3A_405] : memref<8x64x128xf32, #tpu.memory_space<vmem>> -> memref<1x64x128xf32, #tpu.memory_space<vmem>>
      %dma_start3A_407 = tpu.memref_squeeze %dma_start3A_406 : memref<1x64x128xf32, #tpu.memory_space<vmem>> -> memref<64x128xf32, #tpu.memory_space<vmem>>
      %dma_start3A_408 = arith.constant 0 : i32
      %dma_start3A_409 = tpu.memref_slice %arg4[%add3A_402, %dma_start3A_408] : memref<819200x128xf32, #tpu.memory_space<hbm>> -> memref<64x128xf32, #tpu.memory_space<hbm>>
      %dma_start3A_410 = arith.constant 0 : i32
      %dma_start3A_411 = tpu.memref_slice %arg4[%add3A_402, %dma_start3A_410] : memref<819200x128xf32, #tpu.memory_space<hbm>> -> memref<64x128xf32, #tpu.memory_space<hbm>>
      %dma_start3A_412 = arith.constant 0 : i32
      %dma_start3A_413 = arith.constant 0 : i32
      %dma_start3A_414 = tpu.memref_slice %arg6[%dma_start3A_403, %dma_start3A_412, %dma_start3A_413] : memref<8x64x128xf32, #tpu.memory_space<vmem>> -> memref<1x64x128xf32, #tpu.memory_space<vmem>>
      %dma_start3A_415 = tpu.memref_squeeze %dma_start3A_414 : memref<1x64x128xf32, #tpu.memory_space<vmem>> -> memref<64x128xf32, #tpu.memory_space<vmem>>
      tpu.enqueue_dma source(%dma_start3A_415 : memref<64x128xf32, #tpu.memory_space<vmem>>) target(%dma_start3A_411 : memref<64x128xf32, #tpu.memory_space<hbm>>) target_semaphore(%arg19 : memref<!tpu.dma_semaphore, #tpu.memory_space<semaphore_mem>>)
      %mul3A_416 = arith.constant 8 : i32
      %mul3A_417 = arith.muli %scan3A_128, %mul3A_416 : i32
      %add3A_418 = arith.constant 4 : i32
      %add3A_419 = arith.addi %mul3A_417, %add3A_418 : i32
      %dma_wait3A_420 = arith.constant 4 : i32
      %dma_wait3A_421 = arith.constant 0 : i32
      %dma_wait3A_422 = arith.constant 0 : i32
      %dma_wait3A_423 = tpu.memref_slice %arg6[%dma_wait3A_420, %dma_wait3A_421, %dma_wait3A_422] : memref<8x64x128xf32, #tpu.memory_space<vmem>> -> memref<1x64x128xf32, #tpu.memory_space<vmem>>
      %dma_wait3A_424 = tpu.memref_squeeze %dma_wait3A_423 : memref<1x64x128xf32, #tpu.memory_space<vmem>> -> memref<64x128xf32, #tpu.memory_space<vmem>>
      %dma_wait3A_425 = arith.constant 0 : i32
      %dma_wait3A_426 = tpu.memref_slice %arg5[%add3A_419, %dma_wait3A_425] : memref<400x64xi32, #tpu.memory_space<vmem>> -> memref<1x64xi32, #tpu.memory_space<vmem>>
      %dma_wait3A_427 = tpu.memref_squeeze %dma_wait3A_426 : memref<1x64xi32, #tpu.memory_space<vmem>> -> memref<64xi32, #tpu.memory_space<vmem>>
      %dma_wait3A_428 = arith.constant 0 : i32
      %dma_wait3A_429 = arith.constant 0 : i32
      %dma_wait3A_430 = tpu.memref_slice %arg7[%dma_wait3A_428, %dma_wait3A_429] : memref<20x128xf32, #tpu.memory_space<vmem_shared>> -> memref<20x128xf32, #tpu.memory_space<vmem_shared>>
      tpu.wait_indirect_dma semaphore(%arg12 : memref<!tpu.dma_semaphore, #tpu.memory_space<semaphore_mem>>) src(%dma_wait3A_430 : memref<20x128xf32, #tpu.memory_space<vmem_shared>>) dst(%dma_wait3A_424 : memref<64x128xf32, #tpu.memory_space<vmem>>)
      %add3A_431 = arith.constant 256 : i32
      %add3A_432 = arith.addi %add3A_131, %add3A_431 : i32
      %dma_start3A_433 = arith.constant 4 : i32
      %dma_start3A_434 = arith.constant 0 : i32
      %dma_start3A_435 = arith.constant 0 : i32
      %dma_start3A_436 = tpu.memref_slice %arg6[%dma_start3A_433, %dma_start3A_434, %dma_start3A_435] : memref<8x64x128xf32, #tpu.memory_space<vmem>> -> memref<1x64x128xf32, #tpu.memory_space<vmem>>
      %dma_start3A_437 = tpu.memref_squeeze %dma_start3A_436 : memref<1x64x128xf32, #tpu.memory_space<vmem>> -> memref<64x128xf32, #tpu.memory_space<vmem>>
      %dma_start3A_438 = arith.constant 0 : i32
      %dma_start3A_439 = tpu.memref_slice %arg4[%add3A_432, %dma_start3A_438] : memref<819200x128xf32, #tpu.memory_space<hbm>> -> memref<64x128xf32, #tpu.memory_space<hbm>>
      %dma_start3A_440 = arith.constant 0 : i32
      %dma_start3A_441 = tpu.memref_slice %arg4[%add3A_432, %dma_start3A_440] : memref<819200x128xf32, #tpu.memory_space<hbm>> -> memref<64x128xf32, #tpu.memory_space<hbm>>
      %dma_start3A_442 = arith.constant 0 : i32
      %dma_start3A_443 = arith.constant 0 : i32
      %dma_start3A_444 = tpu.memref_slice %arg6[%dma_start3A_433, %dma_start3A_442, %dma_start3A_443] : memref<8x64x128xf32, #tpu.memory_space<vmem>> -> memref<1x64x128xf32, #tpu.memory_space<vmem>>
      %dma_start3A_445 = tpu.memref_squeeze %dma_start3A_444 : memref<1x64x128xf32, #tpu.memory_space<vmem>> -> memref<64x128xf32, #tpu.memory_space<vmem>>
      tpu.enqueue_dma source(%dma_start3A_445 : memref<64x128xf32, #tpu.memory_space<vmem>>) target(%dma_start3A_441 : memref<64x128xf32, #tpu.memory_space<hbm>>) target_semaphore(%arg20 : memref<!tpu.dma_semaphore, #tpu.memory_space<semaphore_mem>>)
      %mul3A_446 = arith.constant 8 : i32
      %mul3A_447 = arith.muli %scan3A_128, %mul3A_446 : i32
      %add3A_448 = arith.constant 5 : i32
      %add3A_449 = arith.addi %mul3A_447, %add3A_448 : i32
      %dma_wait3A_450 = arith.constant 5 : i32
      %dma_wait3A_451 = arith.constant 0 : i32
      %dma_wait3A_452 = arith.constant 0 : i32
      %dma_wait3A_453 = tpu.memref_slice %arg6[%dma_wait3A_450, %dma_wait3A_451, %dma_wait3A_452] : memref<8x64x128xf32, #tpu.memory_space<vmem>> -> memref<1x64x128xf32, #tpu.memory_space<vmem>>
      %dma_wait3A_454 = tpu.memref_squeeze %dma_wait3A_453 : memref<1x64x128xf32, #tpu.memory_space<vmem>> -> memref<64x128xf32, #tpu.memory_space<vmem>>
      %dma_wait3A_455 = arith.constant 0 : i32
      %dma_wait3A_456 = tpu.memref_slice %arg5[%add3A_449, %dma_wait3A_455] : memref<400x64xi32, #tpu.memory_space<vmem>> -> memref<1x64xi32, #tpu.memory_space<vmem>>
      %dma_wait3A_457 = tpu.memref_squeeze %dma_wait3A_456 : memref<1x64xi32, #tpu.memory_space<vmem>> -> memref<64xi32, #tpu.memory_space<vmem>>
      %dma_wait3A_458 = arith.constant 0 : i32
      %dma_wait3A_459 = arith.constant 0 : i32
      %dma_wait3A_460 = tpu.memref_slice %arg7[%dma_wait3A_458, %dma_wait3A_459] : memref<20x128xf32, #tpu.memory_space<vmem_shared>> -> memref<20x128xf32, #tpu.memory_space<vmem_shared>>
      tpu.wait_indirect_dma semaphore(%arg13 : memref<!tpu.dma_semaphore, #tpu.memory_space<semaphore_mem>>) src(%dma_wait3A_460 : memref<20x128xf32, #tpu.memory_space<vmem_shared>>) dst(%dma_wait3A_454 : memref<64x128xf32, #tpu.memory_space<vmem>>)
      %add3A_461 = arith.constant 320 : i32
      %add3A_462 = arith.addi %add3A_131, %add3A_461 : i32
      %dma_start3A_463 = arith.constant 5 : i32
      %dma_start3A_464 = arith.constant 0 : i32
      %dma_start3A_465 = arith.constant 0 : i32
      %dma_start3A_466 = tpu.memref_slice %arg6[%dma_start3A_463, %dma_start3A_464, %dma_start3A_465] : memref<8x64x128xf32, #tpu.memory_space<vmem>> -> memref<1x64x128xf32, #tpu.memory_space<vmem>>
      %dma_start3A_467 = tpu.memref_squeeze %dma_start3A_466 : memref<1x64x128xf32, #tpu.memory_space<vmem>> -> memref<64x128xf32, #tpu.memory_space<vmem>>
      %dma_start3A_468 = arith.constant 0 : i32
      %dma_start3A_469 = tpu.memref_slice %arg4[%add3A_462, %dma_start3A_468] : memref<819200x128xf32, #tpu.memory_space<hbm>> -> memref<64x128xf32, #tpu.memory_space<hbm>>
      %dma_start3A_470 = arith.constant 0 : i32
      %dma_start3A_471 = tpu.memref_slice %arg4[%add3A_462, %dma_start3A_470] : memref<819200x128xf32, #tpu.memory_space<hbm>> -> memref<64x128xf32, #tpu.memory_space<hbm>>
      %dma_start3A_472 = arith.constant 0 : i32
      %dma_start3A_473 = arith.constant 0 : i32
      %dma_start3A_474 = tpu.memref_slice %arg6[%dma_start3A_463, %dma_start3A_472, %dma_start3A_473] : memref<8x64x128xf32, #tpu.memory_space<vmem>> -> memref<1x64x128xf32, #tpu.memory_space<vmem>>
      %dma_start3A_475 = tpu.memref_squeeze %dma_start3A_474 : memref<1x64x128xf32, #tpu.memory_space<vmem>> -> memref<64x128xf32, #tpu.memory_space<vmem>>
      tpu.enqueue_dma source(%dma_start3A_475 : memref<64x128xf32, #tpu.memory_space<vmem>>) target(%dma_start3A_471 : memref<64x128xf32, #tpu.memory_space<hbm>>) target_semaphore(%arg21 : memref<!tpu.dma_semaphore, #tpu.memory_space<semaphore_mem>>)
      %mul3A_476 = arith.constant 8 : i32
      %mul3A_477 = arith.muli %scan3A_128, %mul3A_476 : i32
      %add3A_478 = arith.constant 6 : i32
      %add3A_479 = arith.addi %mul3A_477, %add3A_478 : i32
      %dma_wait3A_480 = arith.constant 6 : i32
      %dma_wait3A_481 = arith.constant 0 : i32
      %dma_wait3A_482 = arith.constant 0 : i32
      %dma_wait3A_483 = tpu.memref_slice %arg6[%dma_wait3A_480, %dma_wait3A_481, %dma_wait3A_482] : memref<8x64x128xf32, #tpu.memory_space<vmem>> -> memref<1x64x128xf32, #tpu.memory_space<vmem>>
      %dma_wait3A_484 = tpu.memref_squeeze %dma_wait3A_483 : memref<1x64x128xf32, #tpu.memory_space<vmem>> -> memref<64x128xf32, #tpu.memory_space<vmem>>
      %dma_wait3A_485 = arith.constant 0 : i32
      %dma_wait3A_486 = tpu.memref_slice %arg5[%add3A_479, %dma_wait3A_485] : memref<400x64xi32, #tpu.memory_space<vmem>> -> memref<1x64xi32, #tpu.memory_space<vmem>>
      %dma_wait3A_487 = tpu.memref_squeeze %dma_wait3A_486 : memref<1x64xi32, #tpu.memory_space<vmem>> -> memref<64xi32, #tpu.memory_space<vmem>>
      %dma_wait3A_488 = arith.constant 0 : i32
      %dma_wait3A_489 = arith.constant 0 : i32
      %dma_wait3A_490 = tpu.memref_slice %arg7[%dma_wait3A_488, %dma_wait3A_489] : memref<20x128xf32, #tpu.memory_space<vmem_shared>> -> memref<20x128xf32, #tpu.memory_space<vmem_shared>>
      tpu.wait_indirect_dma semaphore(%arg14 : memref<!tpu.dma_semaphore, #tpu.memory_space<semaphore_mem>>) src(%dma_wait3A_490 : memref<20x128xf32, #tpu.memory_space<vmem_shared>>) dst(%dma_wait3A_484 : memref<64x128xf32, #tpu.memory_space<vmem>>)
      %add3A_491 = arith.constant 384 : i32
      %add3A_492 = arith.addi %add3A_131, %add3A_491 : i32
      %dma_start3A_493 = arith.constant 6 : i32
      %dma_start3A_494 = arith.constant 0 : i32
      %dma_start3A_495 = arith.constant 0 : i32
      %dma_start3A_496 = tpu.memref_slice %arg6[%dma_start3A_493, %dma_start3A_494, %dma_start3A_495] : memref<8x64x128xf32, #tpu.memory_space<vmem>> -> memref<1x64x128xf32, #tpu.memory_space<vmem>>
      %dma_start3A_497 = tpu.memref_squeeze %dma_start3A_496 : memref<1x64x128xf32, #tpu.memory_space<vmem>> -> memref<64x128xf32, #tpu.memory_space<vmem>>
      %dma_start3A_498 = arith.constant 0 : i32
      %dma_start3A_499 = tpu.memref_slice %arg4[%add3A_492, %dma_start3A_498] : memref<819200x128xf32, #tpu.memory_space<hbm>> -> memref<64x128xf32, #tpu.memory_space<hbm>>
      %dma_start3A_500 = arith.constant 0 : i32
      %dma_start3A_501 = tpu.memref_slice %arg4[%add3A_492, %dma_start3A_500] : memref<819200x128xf32, #tpu.memory_space<hbm>> -> memref<64x128xf32, #tpu.memory_space<hbm>>
      %dma_start3A_502 = arith.constant 0 : i32
      %dma_start3A_503 = arith.constant 0 : i32
      %dma_start3A_504 = tpu.memref_slice %arg6[%dma_start3A_493, %dma_start3A_502, %dma_start3A_503] : memref<8x64x128xf32, #tpu.memory_space<vmem>> -> memref<1x64x128xf32, #tpu.memory_space<vmem>>
      %dma_start3A_505 = tpu.memref_squeeze %dma_start3A_504 : memref<1x64x128xf32, #tpu.memory_space<vmem>> -> memref<64x128xf32, #tpu.memory_space<vmem>>
      tpu.enqueue_dma source(%dma_start3A_505 : memref<64x128xf32, #tpu.memory_space<vmem>>) target(%dma_start3A_501 : memref<64x128xf32, #tpu.memory_space<hbm>>) target_semaphore(%arg22 : memref<!tpu.dma_semaphore, #tpu.memory_space<semaphore_mem>>)
      %mul3A_506 = arith.constant 8 : i32
      %mul3A_507 = arith.muli %scan3A_128, %mul3A_506 : i32
      %add3A_508 = arith.constant 7 : i32
      %add3A_509 = arith.addi %mul3A_507, %add3A_508 : i32
      %dma_wait3A_510 = arith.constant 7 : i32
      %dma_wait3A_511 = arith.constant 0 : i32
      %dma_wait3A_512 = arith.constant 0 : i32
      %dma_wait3A_513 = tpu.memref_slice %arg6[%dma_wait3A_510, %dma_wait3A_511, %dma_wait3A_512] : memref<8x64x128xf32, #tpu.memory_space<vmem>> -> memref<1x64x128xf32, #tpu.memory_space<vmem>>
      %dma_wait3A_514 = tpu.memref_squeeze %dma_wait3A_513 : memref<1x64x128xf32, #tpu.memory_space<vmem>> -> memref<64x128xf32, #tpu.memory_space<vmem>>
      %dma_wait3A_515 = arith.constant 0 : i32
      %dma_wait3A_516 = tpu.memref_slice %arg5[%add3A_509, %dma_wait3A_515] : memref<400x64xi32, #tpu.memory_space<vmem>> -> memref<1x64xi32, #tpu.memory_space<vmem>>
      %dma_wait3A_517 = tpu.memref_squeeze %dma_wait3A_516 : memref<1x64xi32, #tpu.memory_space<vmem>> -> memref<64xi32, #tpu.memory_space<vmem>>
      %dma_wait3A_518 = arith.constant 0 : i32
      %dma_wait3A_519 = arith.constant 0 : i32
      %dma_wait3A_520 = tpu.memref_slice %arg7[%dma_wait3A_518, %dma_wait3A_519] : memref<20x128xf32, #tpu.memory_space<vmem_shared>> -> memref<20x128xf32, #tpu.memory_space<vmem_shared>>
      tpu.wait_indirect_dma semaphore(%arg15 : memref<!tpu.dma_semaphore, #tpu.memory_space<semaphore_mem>>) src(%dma_wait3A_520 : memref<20x128xf32, #tpu.memory_space<vmem_shared>>) dst(%dma_wait3A_514 : memref<64x128xf32, #tpu.memory_space<vmem>>)
      %add3A_521 = arith.constant 448 : i32
      %add3A_522 = arith.addi %add3A_131, %add3A_521 : i32
      %dma_start3A_523 = arith.constant 7 : i32
      %dma_start3A_524 = arith.constant 0 : i32
      %dma_start3A_525 = arith.constant 0 : i32
      %dma_start3A_526 = tpu.memref_slice %arg6[%dma_start3A_523, %dma_start3A_524, %dma_start3A_525] : memref<8x64x128xf32, #tpu.memory_space<vmem>> -> memref<1x64x128xf32, #tpu.memory_space<vmem>>
      %dma_start3A_527 = tpu.memref_squeeze %dma_start3A_526 : memref<1x64x128xf32, #tpu.memory_space<vmem>> -> memref<64x128xf32, #tpu.memory_space<vmem>>
      %dma_start3A_528 = arith.constant 0 : i32
      %dma_start3A_529 = tpu.memref_slice %arg4[%add3A_522, %dma_start3A_528] : memref<819200x128xf32, #tpu.memory_space<hbm>> -> memref<64x128xf32, #tpu.memory_space<hbm>>
      %dma_start3A_530 = arith.constant 0 : i32
      %dma_start3A_531 = tpu.memref_slice %arg4[%add3A_522, %dma_start3A_530] : memref<819200x128xf32, #tpu.memory_space<hbm>> -> memref<64x128xf32, #tpu.memory_space<hbm>>
      %dma_start3A_532 = arith.constant 0 : i32
      %dma_start3A_533 = arith.constant 0 : i32
      %dma_start3A_534 = tpu.memref_slice %arg6[%dma_start3A_523, %dma_start3A_532, %dma_start3A_533] : memref<8x64x128xf32, #tpu.memory_space<vmem>> -> memref<1x64x128xf32, #tpu.memory_space<vmem>>
      %dma_start3A_535 = tpu.memref_squeeze %dma_start3A_534 : memref<1x64x128xf32, #tpu.memory_space<vmem>> -> memref<64x128xf32, #tpu.memory_space<vmem>>
      tpu.enqueue_dma source(%dma_start3A_535 : memref<64x128xf32, #tpu.memory_space<vmem>>) target(%dma_start3A_531 : memref<64x128xf32, #tpu.memory_space<hbm>>) target_semaphore(%arg23 : memref<!tpu.dma_semaphore, #tpu.memory_space<semaphore_mem>>)
    }
    %scan3A_24 = arith.constant 50 : i32
    %dma_wait3A = arith.constant 0 : i32
    %dma_wait3A_25 = arith.constant 0 : i32
    %dma_wait3A_26 = arith.constant 0 : i32
    %dma_wait3A_27 = tpu.memref_slice %arg6[%dma_wait3A, %dma_wait3A_25, %dma_wait3A_26] : memref<8x64x128xf32, #tpu.memory_space<vmem>> -> memref<1x64x128xf32, #tpu.memory_space<vmem>>
    %dma_wait3A_28 = tpu.memref_squeeze %dma_wait3A_27 : memref<1x64x128xf32, #tpu.memory_space<vmem>> -> memref<64x128xf32, #tpu.memory_space<vmem>>
    %dma_wait3A_29 = arith.constant 0 : i32
    %dma_wait3A_30 = tpu.memref_slice %arg4[%mul3A_2, %dma_wait3A_29] : memref<819200x128xf32, #tpu.memory_space<hbm>> -> memref<64x128xf32, #tpu.memory_space<hbm>>
    %dma_wait3A_31 = arith.constant 0 : i32
    %dma_wait3A_32 = tpu.memref_slice %arg4[%mul3A_2, %dma_wait3A_31] : memref<819200x128xf32, #tpu.memory_space<hbm>> -> memref<64x128xf32, #tpu.memory_space<hbm>>
    %dma_wait3A_33 = arith.constant 0 : i32
    %dma_wait3A_34 = arith.constant 0 : i32
    %dma_wait3A_35 = tpu.memref_slice %arg6[%dma_wait3A, %dma_wait3A_33, %dma_wait3A_34] : memref<8x64x128xf32, #tpu.memory_space<vmem>> -> memref<1x64x128xf32, #tpu.memory_space<vmem>>
    %dma_wait3A_36 = tpu.memref_squeeze %dma_wait3A_35 : memref<1x64x128xf32, #tpu.memory_space<vmem>> -> memref<64x128xf32, #tpu.memory_space<vmem>>
    tpu.wait_dma2 semaphore(%arg16 : memref<!tpu.dma_semaphore, #tpu.memory_space<semaphore_mem>>) src(%dma_wait3A_36 : memref<64x128xf32, #tpu.memory_space<vmem>>) dst(%dma_wait3A_32 : memref<64x128xf32, #tpu.memory_space<hbm>>)
    %dma_wait3A_37 = arith.constant 1 : i32
    %dma_wait3A_38 = arith.constant 0 : i32
    %dma_wait3A_39 = arith.constant 0 : i32
    %dma_wait3A_40 = tpu.memref_slice %arg6[%dma_wait3A_37, %dma_wait3A_38, %dma_wait3A_39] : memref<8x64x128xf32, #tpu.memory_space<vmem>> -> memref<1x64x128xf32, #tpu.memory_space<vmem>>
    %dma_wait3A_41 = tpu.memref_squeeze %dma_wait3A_40 : memref<1x64x128xf32, #tpu.memory_space<vmem>> -> memref<64x128xf32, #tpu.memory_space<vmem>>
    %dma_wait3A_42 = arith.constant 0 : i32
    %dma_wait3A_43 = tpu.memref_slice %arg4[%mul3A_2, %dma_wait3A_42] : memref<819200x128xf32, #tpu.memory_space<hbm>> -> memref<64x128xf32, #tpu.memory_space<hbm>>
    %dma_wait3A_44 = arith.constant 0 : i32
    %dma_wait3A_45 = tpu.memref_slice %arg4[%mul3A_2, %dma_wait3A_44] : memref<819200x128xf32, #tpu.memory_space<hbm>> -> memref<64x128xf32, #tpu.memory_space<hbm>>
    %dma_wait3A_46 = arith.constant 0 : i32
    %dma_wait3A_47 = arith.constant 0 : i32
    %dma_wait3A_48 = tpu.memref_slice %arg6[%dma_wait3A_37, %dma_wait3A_46, %dma_wait3A_47] : memref<8x64x128xf32, #tpu.memory_space<vmem>> -> memref<1x64x128xf32, #tpu.memory_space<vmem>>
    %dma_wait3A_49 = tpu.memref_squeeze %dma_wait3A_48 : memref<1x64x128xf32, #tpu.memory_space<vmem>> -> memref<64x128xf32, #tpu.memory_space<vmem>>
    tpu.wait_dma2 semaphore(%arg17 : memref<!tpu.dma_semaphore, #tpu.memory_space<semaphore_mem>>) src(%dma_wait3A_49 : memref<64x128xf32, #tpu.memory_space<vmem>>) dst(%dma_wait3A_45 : memref<64x128xf32, #tpu.memory_space<hbm>>)
    %dma_wait3A_50 = arith.constant 2 : i32
    %dma_wait3A_51 = arith.constant 0 : i32
    %dma_wait3A_52 = arith.constant 0 : i32
    %dma_wait3A_53 = tpu.memref_slice %arg6[%dma_wait3A_50, %dma_wait3A_51, %dma_wait3A_52] : memref<8x64x128xf32, #tpu.memory_space<vmem>> -> memref<1x64x128xf32, #tpu.memory_space<vmem>>
    %dma_wait3A_54 = tpu.memref_squeeze %dma_wait3A_53 : memref<1x64x128xf32, #tpu.memory_space<vmem>> -> memref<64x128xf32, #tpu.memory_space<vmem>>
    %dma_wait3A_55 = arith.constant 0 : i32
    %dma_wait3A_56 = tpu.memref_slice %arg4[%mul3A_2, %dma_wait3A_55] : memref<819200x128xf32, #tpu.memory_space<hbm>> -> memref<64x128xf32, #tpu.memory_space<hbm>>
    %dma_wait3A_57 = arith.constant 0 : i32
    %dma_wait3A_58 = tpu.memref_slice %arg4[%mul3A_2, %dma_wait3A_57] : memref<819200x128xf32, #tpu.memory_space<hbm>> -> memref<64x128xf32, #tpu.memory_space<hbm>>
    %dma_wait3A_59 = arith.constant 0 : i32
    %dma_wait3A_60 = arith.constant 0 : i32
    %dma_wait3A_61 = tpu.memref_slice %arg6[%dma_wait3A_50, %dma_wait3A_59, %dma_wait3A_60] : memref<8x64x128xf32, #tpu.memory_space<vmem>> -> memref<1x64x128xf32, #tpu.memory_space<vmem>>
    %dma_wait3A_62 = tpu.memref_squeeze %dma_wait3A_61 : memref<1x64x128xf32, #tpu.memory_space<vmem>> -> memref<64x128xf32, #tpu.memory_space<vmem>>
    tpu.wait_dma2 semaphore(%arg18 : memref<!tpu.dma_semaphore, #tpu.memory_space<semaphore_mem>>) src(%dma_wait3A_62 : memref<64x128xf32, #tpu.memory_space<vmem>>) dst(%dma_wait3A_58 : memref<64x128xf32, #tpu.memory_space<hbm>>)
    %dma_wait3A_63 = arith.constant 3 : i32
    %dma_wait3A_64 = arith.constant 0 : i32
    %dma_wait3A_65 = arith.constant 0 : i32
    %dma_wait3A_66 = tpu.memref_slice %arg6[%dma_wait3A_63, %dma_wait3A_64, %dma_wait3A_65] : memref<8x64x128xf32, #tpu.memory_space<vmem>> -> memref<1x64x128xf32, #tpu.memory_space<vmem>>
    %dma_wait3A_67 = tpu.memref_squeeze %dma_wait3A_66 : memref<1x64x128xf32, #tpu.memory_space<vmem>> -> memref<64x128xf32, #tpu.memory_space<vmem>>
    %dma_wait3A_68 = arith.constant 0 : i32
    %dma_wait3A_69 = tpu.memref_slice %arg4[%mul3A_2, %dma_wait3A_68] : memref<819200x128xf32, #tpu.memory_space<hbm>> -> memref<64x128xf32, #tpu.memory_space<hbm>>
    %dma_wait3A_70 = arith.constant 0 : i32
    %dma_wait3A_71 = tpu.memref_slice %arg4[%mul3A_2, %dma_wait3A_70] : memref<819200x128xf32, #tpu.memory_space<hbm>> -> memref<64x128xf32, #tpu.memory_space<hbm>>
    %dma_wait3A_72 = arith.constant 0 : i32
    %dma_wait3A_73 = arith.constant 0 : i32
    %dma_wait3A_74 = tpu.memref_slice %arg6[%dma_wait3A_63, %dma_wait3A_72, %dma_wait3A_73] : memref<8x64x128xf32, #tpu.memory_space<vmem>> -> memref<1x64x128xf32, #tpu.memory_space<vmem>>
    %dma_wait3A_75 = tpu.memref_squeeze %dma_wait3A_74 : memref<1x64x128xf32, #tpu.memory_space<vmem>> -> memref<64x128xf32, #tpu.memory_space<vmem>>
    tpu.wait_dma2 semaphore(%arg19 : memref<!tpu.dma_semaphore, #tpu.memory_space<semaphore_mem>>) src(%dma_wait3A_75 : memref<64x128xf32, #tpu.memory_space<vmem>>) dst(%dma_wait3A_71 : memref<64x128xf32, #tpu.memory_space<hbm>>)
    %dma_wait3A_76 = arith.constant 4 : i32
    %dma_wait3A_77 = arith.constant 0 : i32
    %dma_wait3A_78 = arith.constant 0 : i32
    %dma_wait3A_79 = tpu.memref_slice %arg6[%dma_wait3A_76, %dma_wait3A_77, %dma_wait3A_78] : memref<8x64x128xf32, #tpu.memory_space<vmem>> -> memref<1x64x128xf32, #tpu.memory_space<vmem>>
    %dma_wait3A_80 = tpu.memref_squeeze %dma_wait3A_79 : memref<1x64x128xf32, #tpu.memory_space<vmem>> -> memref<64x128xf32, #tpu.memory_space<vmem>>
    %dma_wait3A_81 = arith.constant 0 : i32
    %dma_wait3A_82 = tpu.memref_slice %arg4[%mul3A_2, %dma_wait3A_81] : memref<819200x128xf32, #tpu.memory_space<hbm>> -> memref<64x128xf32, #tpu.memory_space<hbm>>
    %dma_wait3A_83 = arith.constant 0 : i32
    %dma_wait3A_84 = tpu.memref_slice %arg4[%mul3A_2, %dma_wait3A_83] : memref<819200x128xf32, #tpu.memory_space<hbm>> -> memref<64x128xf32, #tpu.memory_space<hbm>>
    %dma_wait3A_85 = arith.constant 0 : i32
    %dma_wait3A_86 = arith.constant 0 : i32
    %dma_wait3A_87 = tpu.memref_slice %arg6[%dma_wait3A_76, %dma_wait3A_85, %dma_wait3A_86] : memref<8x64x128xf32, #tpu.memory_space<vmem>> -> memref<1x64x128xf32, #tpu.memory_space<vmem>>
    %dma_wait3A_88 = tpu.memref_squeeze %dma_wait3A_87 : memref<1x64x128xf32, #tpu.memory_space<vmem>> -> memref<64x128xf32, #tpu.memory_space<vmem>>
    tpu.wait_dma2 semaphore(%arg20 : memref<!tpu.dma_semaphore, #tpu.memory_space<semaphore_mem>>) src(%dma_wait3A_88 : memref<64x128xf32, #tpu.memory_space<vmem>>) dst(%dma_wait3A_84 : memref<64x128xf32, #tpu.memory_space<hbm>>)
    %dma_wait3A_89 = arith.constant 5 : i32
    %dma_wait3A_90 = arith.constant 0 : i32
    %dma_wait3A_91 = arith.constant 0 : i32
    %dma_wait3A_92 = tpu.memref_slice %arg6[%dma_wait3A_89, %dma_wait3A_90, %dma_wait3A_91] : memref<8x64x128xf32, #tpu.memory_space<vmem>> -> memref<1x64x128xf32, #tpu.memory_space<vmem>>
    %dma_wait3A_93 = tpu.memref_squeeze %dma_wait3A_92 : memref<1x64x128xf32, #tpu.memory_space<vmem>> -> memref<64x128xf32, #tpu.memory_space<vmem>>
    %dma_wait3A_94 = arith.constant 0 : i32
    %dma_wait3A_95 = tpu.memref_slice %arg4[%mul3A_2, %dma_wait3A_94] : memref<819200x128xf32, #tpu.memory_space<hbm>> -> memref<64x128xf32, #tpu.memory_space<hbm>>
    %dma_wait3A_96 = arith.constant 0 : i32
    %dma_wait3A_97 = tpu.memref_slice %arg4[%mul3A_2, %dma_wait3A_96] : memref<819200x128xf32, #tpu.memory_space<hbm>> -> memref<64x128xf32, #tpu.memory_space<hbm>>
    %dma_wait3A_98 = arith.constant 0 : i32
    %dma_wait3A_99 = arith.constant 0 : i32
    %dma_wait3A_100 = tpu.memref_slice %arg6[%dma_wait3A_89, %dma_wait3A_98, %dma_wait3A_99] : memref<8x64x128xf32, #tpu.memory_space<vmem>> -> memref<1x64x128xf32, #tpu.memory_space<vmem>>
    %dma_wait3A_101 = tpu.memref_squeeze %dma_wait3A_100 : memref<1x64x128xf32, #tpu.memory_space<vmem>> -> memref<64x128xf32, #tpu.memory_space<vmem>>
    tpu.wait_dma2 semaphore(%arg21 : memref<!tpu.dma_semaphore, #tpu.memory_space<semaphore_mem>>) src(%dma_wait3A_101 : memref<64x128xf32, #tpu.memory_space<vmem>>) dst(%dma_wait3A_97 : memref<64x128xf32, #tpu.memory_space<hbm>>)
    %dma_wait3A_102 = arith.constant 6 : i32
    %dma_wait3A_103 = arith.constant 0 : i32
    %dma_wait3A_104 = arith.constant 0 : i32
    %dma_wait3A_105 = tpu.memref_slice %arg6[%dma_wait3A_102, %dma_wait3A_103, %dma_wait3A_104] : memref<8x64x128xf32, #tpu.memory_space<vmem>> -> memref<1x64x128xf32, #tpu.memory_space<vmem>>
    %dma_wait3A_106 = tpu.memref_squeeze %dma_wait3A_105 : memref<1x64x128xf32, #tpu.memory_space<vmem>> -> memref<64x128xf32, #tpu.memory_space<vmem>>
    %dma_wait3A_107 = arith.constant 0 : i32
    %dma_wait3A_108 = tpu.memref_slice %arg4[%mul3A_2, %dma_wait3A_107] : memref<819200x128xf32, #tpu.memory_space<hbm>> -> memref<64x128xf32, #tpu.memory_space<hbm>>
    %dma_wait3A_109 = arith.constant 0 : i32
    %dma_wait3A_110 = tpu.memref_slice %arg4[%mul3A_2, %dma_wait3A_109] : memref<819200x128xf32, #tpu.memory_space<hbm>> -> memref<64x128xf32, #tpu.memory_space<hbm>>
    %dma_wait3A_111 = arith.constant 0 : i32
    %dma_wait3A_112 = arith.constant 0 : i32
    %dma_wait3A_113 = tpu.memref_slice %arg6[%dma_wait3A_102, %dma_wait3A_111, %dma_wait3A_112] : memref<8x64x128xf32, #tpu.memory_space<vmem>> -> memref<1x64x128xf32, #tpu.memory_space<vmem>>
    %dma_wait3A_114 = tpu.memref_squeeze %dma_wait3A_113 : memref<1x64x128xf32, #tpu.memory_space<vmem>> -> memref<64x128xf32, #tpu.memory_space<vmem>>
    tpu.wait_dma2 semaphore(%arg22 : memref<!tpu.dma_semaphore, #tpu.memory_space<semaphore_mem>>) src(%dma_wait3A_114 : memref<64x128xf32, #tpu.memory_space<vmem>>) dst(%dma_wait3A_110 : memref<64x128xf32, #tpu.memory_space<hbm>>)
    %dma_wait3A_115 = arith.constant 7 : i32
    %dma_wait3A_116 = arith.constant 0 : i32
    %dma_wait3A_117 = arith.constant 0 : i32
    %dma_wait3A_118 = tpu.memref_slice %arg6[%dma_wait3A_115, %dma_wait3A_116, %dma_wait3A_117] : memref<8x64x128xf32, #tpu.memory_space<vmem>> -> memref<1x64x128xf32, #tpu.memory_space<vmem>>
    %dma_wait3A_119 = tpu.memref_squeeze %dma_wait3A_118 : memref<1x64x128xf32, #tpu.memory_space<vmem>> -> memref<64x128xf32, #tpu.memory_space<vmem>>
    %dma_wait3A_120 = arith.constant 0 : i32
    %dma_wait3A_121 = tpu.memref_slice %arg4[%mul3A_2, %dma_wait3A_120] : memref<819200x128xf32, #tpu.memory_space<hbm>> -> memref<64x128xf32, #tpu.memory_space<hbm>>
    %dma_wait3A_122 = arith.constant 0 : i32
    %dma_wait3A_123 = tpu.memref_slice %arg4[%mul3A_2, %dma_wait3A_122] : memref<819200x128xf32, #tpu.memory_space<hbm>> -> memref<64x128xf32, #tpu.memory_space<hbm>>
    %dma_wait3A_124 = arith.constant 0 : i32
    %dma_wait3A_125 = arith.constant 0 : i32
    %dma_wait3A_126 = tpu.memref_slice %arg6[%dma_wait3A_115, %dma_wait3A_124, %dma_wait3A_125] : memref<8x64x128xf32, #tpu.memory_space<vmem>> -> memref<1x64x128xf32, #tpu.memory_space<vmem>>
    %dma_wait3A_127 = tpu.memref_squeeze %dma_wait3A_126 : memref<1x64x128xf32, #tpu.memory_space<vmem>> -> memref<64x128xf32, #tpu.memory_space<vmem>>
    tpu.wait_dma2 semaphore(%arg23 : memref<!tpu.dma_semaphore, #tpu.memory_space<semaphore_mem>>) src(%dma_wait3A_127 : memref<64x128xf32, #tpu.memory_space<vmem>>) dst(%dma_wait3A_123 : memref<64x128xf32, #tpu.memory_space<hbm>>)
    return
  }
}

</mosaic_0001>

<sc_bundles>
// kernel: kernel.3.cloned.1.call-start
scs
__scs_entry_jumppad:
0x0: {  	(pc) =	sbr.rel $0x88, $3  }
0x1: {  	(tag) =	ssettag $0x0;
	lr =	simm.s32 $0x1  }
0x2: {  	[smem:$0x3F9F] =	sst lr;
	_ =	strace $0xD0000000  }
0x3: {  	_ = 	snop  }
0x4: {  	_ = 	snop  }
0x5: {  	_ = 	snop  }
0x6: {  	_ = 	snop  }
0x7: {  	_ = 	snop  }
__scs_overlays_trampoline_lowered:
0x8: {  	[smem:$0x3FAE] =	sst s0  }
0x9: {  	[smem:$0x3FAF] =	sst s1  }
0xa: {  	[smem:$0x3FB0] =	sst s2  }
0xb: {  	[smem:$0x3FB1] =	sst s3  }
0xc: {  	[smem:$0x3FB2] =	sst s4  }
0xd: {  	[smem:$0x3FB3] =	sst s5  }
0xe: {  	[smem:$0x3FB4] =	sst s6  }
0xf: {  	[smem:$0x3FB5] =	sst s7  }
0x10: {  	[smem:$0x3FB6] =	sst s8  }
0x11: {  	[smem:$0x3FB7] =	sst s9;
	s0 =	simm.s32 @!p0 $0x0  }
0x12: {  	s1 =	sld [smem:$0x3F9D];
	s0 =	simm.s32 @p0 $0x1  }
0x13: {  	[smem:$0x3FB8] =	sst s0;
	s0 =	simm.s32 @!p1 $0x0  }
0x14: {  	s2 =	sld [smem:$0x3F9C];
	s0 =	simm.s32 @p1 $0x1  }
0x15: {  	[smem:$0x3FB9] =	sst s0;
	s0 =	simm.s32 @!p2 $0x0  }
0x16: {  	s3 =	sld [smem:$0x3FDB];
	s0 =	simm.s32 @p2 $0x1  }
0x17: {  	s4 =	simm.s32 $0x1BF5;
	[smem:$0x3FBB] =	sst s0  }
0x18: {  	s0 =	sld [smem:$0x3F9E];
	_ =	swait.ge [sflag:s4], $0x0  }
0x19: {  	s7 =	sld [smem:$0x3F9F]  }
0x1a: {  	s8 =	sadd.s32 $0xFFFFE003, lr  }
0x1b: {  	s9 =	sadd.s32 $0xFFFFFEF7, lr;
	s5 =	simm.s32 $0xFFFFFFFF;
	p2 =	slt.u32 s8, $0xFFFFF086  }
0x1c: {  	p1 =	slt.u32 s9, $0xF7A;
	s5 =	simm.s32 @!p2 $0x0  }
0x1d: {  	s5 =	simm.s32 @p1 $0x1;
	p0 =	seq.s32 s7, s2  }
0x1e: {  	s7 =	smul.u32 @!p0 $0xF7A, s2;
	p2 =	seq.s32 @!p0 s5, $0x0  }
0x1f: {  	s9 =	smul.u32 $0xF7A, s1;
	s8 =	simm.s32 @!p0 $0x1BF5;
	p2 =	por !p2, p0  }
0x20: {  	[sflag:s8] =	ssyncset.s32 @!p0 $0xFFFFF086;
	s6 =	sadd.s32 @!p0 s3, s7;
	s7 =	simm.s32 @!p0 $0x108  }
0x21: {  	s3 =	sadd.s32 s3, s9;
	s6 =	sadd.s32 @!p0 $0x88, s6;
	s7 =	simm.s32 @p2 $0x1082  }
0x22: {  	[simem:s7], [sflag:s8] =	dma.local @!p0 [hbm:s6], $0xF7A  }
0x23: {  	s9 =	sor.u32 $0xD0000000, s2;
	s6 =	simm.s32 $0x108;
	_ =	swait.ge @!p0 [sflag:s8], $0x0  }
0x24: {  	s3 =	sadd.s32 $0x88, s3;
	s6 =	simm.s32 @!p1 $0x1082;
	[sflag:s4] =	ssyncset.s32 $0xFFFFF086  }
0x25: {  	[simem:s6], [sflag:s4] =	dma.local [hbm:s3], $0xF7A  }
0x26: {  	[smem:$0x3F9F] =	sst s1;
	(tag) =	ssettag s2;
	_ =	strace s9  }
0x27: {  	s1 =	sld [smem:$0x3FAF]  }
0x28: {  	s2 =	sld [smem:$0x3FB0]  }
0x29: {  	s4 =	sld [smem:$0x3FB2]  }
0x2a: {  	p0 =	seq.s32 s5, $0x0;
	s5 =	sld [smem:$0x3FB3]  }
0x2b: {  	s6 =	sld [smem:$0x3FB4]  }
0x2c: {  	s7 =	sld [smem:$0x3FB5]  }
0x2d: {  	s3 =	simm.s32 $0x108;
	s8 =	sld [smem:$0x3FB6]  }
0x2e: {  	s3 =	simm.s32 @!p0 $0x1082;
	s9 =	sld [smem:$0x3FB7]  }
0x2f: {  	lr =	sadd.s32 s0, s3;
	s0 =	sld [smem:$0x3FAE]  }
0x30: {  	s3 =	sld [smem:$0x3FB1]  }
0x31: {  	[smem:$0x3FBA] =	sst s10  }
0x32: {  	s10 =	sld [smem:$0x3FB8];
	_ =	sdelay $0x3  }
0x33: {  	p0 =	seq.s32 s10, $0x1;
	s10 =	sld [smem:$0x3FBA];
	_ =	sdelay $0x3  }
0x34: {  	[smem:$0x3FBA] =	sst s10  }
0x35: {  	s10 =	sld [smem:$0x3FB9];
	_ =	sdelay $0x3  }
0x36: {  	p1 =	seq.s32 s10, $0x1;
	s10 =	sld [smem:$0x3FBA];
	_ =	sdelay $0x3  }
0x37: {  	[smem:$0x3FBA] =	sst s10  }
0x38: {  	s10 =	sld [smem:$0x3FBB]  }
0x39: {  	_ = 	snop;
	(pc) =	sbr.ind lr, $3  }
0x3a: {  	_ = 	snop  }
0x3b: {  	_ = 	snop  }
0x3c: {  	p2 =	seq.s32 s10, $0x1;
	s10 =	sld [smem:$0x3FBA]  }
0x3d: {  	_ =	shalt  }
0x3e: {  	_ =	shalt  }
0x3f: {  	_ =	shalt  }
0x40: {  	_ =	shalt  }
0x41: {  	_ =	shalt  }
0x42: {  	_ =	shalt  }
0x43: {  	_ =	shalt  }
0x44: {  	_ =	shalt  }
0x45: {  	_ =	shalt  }
0x46: {  	_ =	shalt  }
0x47: {  	_ =	shalt  }
0x48: {  	_ =	shalt  }
0x49: {  	_ =	shalt  }
0x4a: {  	_ =	shalt  }
0x4b: {  	_ =	shalt  }
0x4c: {  	_ =	shalt  }
0x4d: {  	_ =	shalt  }
0x4e: {  	_ =	shalt  }
0x4f: {  	_ =	shalt  }
0x50: {  	_ =	shalt  }
0x51: {  	_ =	shalt  }
0x52: {  	_ =	shalt  }
0x53: {  	_ =	shalt  }
0x54: {  	_ =	shalt  }
0x55: {  	_ =	shalt  }
0x56: {  	_ =	shalt  }
0x57: {  	_ =	shalt  }
0x58: {  	_ =	shalt  }
0x59: {  	_ =	shalt  }
0x5a: {  	_ =	shalt  }
0x5b: {  	_ =	shalt  }
0x5c: {  	_ =	shalt  }
0x5d: {  	_ =	shalt  }
0x5e: {  	_ =	shalt  }
0x5f: {  	_ =	shalt  }
0x60: {  	_ =	shalt  }
0x61: {  	_ =	shalt  }
0x62: {  	_ =	shalt  }
0x63: {  	_ =	shalt  }
0x64: {  	_ =	shalt  }
0x65: {  	_ =	shalt  }
0x66: {  	_ =	shalt  }
0x67: {  	_ =	shalt  }
0x68: {  	_ =	shalt  }
0x69: {  	_ =	shalt  }
0x6a: {  	_ =	shalt  }
0x6b: {  	_ =	shalt  }
0x6c: {  	_ =	shalt  }
0x6d: {  	_ =	shalt  }
0x6e: {  	_ =	shalt  }
0x6f: {  	_ =	shalt  }
0x70: {  	_ =	shalt  }
0x71: {  	_ =	shalt  }
0x72: {  	_ =	shalt  }
0x73: {  	_ =	shalt  }
0x74: {  	_ =	shalt  }
0x75: {  	_ =	shalt  }
0x76: {  	_ =	shalt  }
0x77: {  	_ =	shalt  }
0x78: {  	_ =	shalt  }
0x79: {  	_ =	shalt  }
0x7a: {  	_ =	shalt  }
0x7b: {  	_ =	shalt  }
0x7c: {  	_ =	shalt  }
0x7d: {  	_ =	shalt  }
0x7e: {  	_ =	shalt  }
0x7f: {  	_ =	shalt  }
0x80: {  	_ =	shalt  }
0x81: {  	_ =	shalt  }
0x82: {  	_ =	shalt  }
0x83: {  	_ =	shalt  }
0x84: {  	_ =	shalt  }
0x85: {  	_ =	shalt  }
0x86: {  	_ =	shalt  }
0x87: {  	_ =	shalt  }
.Lfunc_end0:
.L_simem_size_0:
called_computation_lowered:
.L_overlay_start_0:
0x88: {  	s2 =	sld [smem:$0x3FD9]  }
0x89: {  	s3 =	sld [smem:$0x3FFE];
	_ =	sdelay $0x1  }
0x8a: {  	s1 =	srdreg.scid  }
0x8b: {  	s0 =	sand.u32 $0x1, s1  }
0x8c: {  	s17 =	sshll.u32 s0, $0xA;
	s2 =	sadd.s32 s3, s2  }
0x8d: {  	s2 =	sadd.s32 s2, s17  }
0x8e: {  	[smem:$0x3FC6] =	sst s2  }
0x8f: {  	_ = 	snop  }
0x90: {  	s2 =	sld [smem:$0x3FC8]  }
0x91: {  	s18 =	sld [smem:$0x3FD0];
	(tm) =	ssettm $0x1  }
0x92: {  	s4 =	sld [smem:$0x3FFB];
	_ =	sdelay $0x3  }
0x93: {  	_ =	strace s4  }
0x94: {  	s4 =	sld [smem:$0x3FFC];
	_ =	sdelay $0x3  }
0x95: {  	_ =	strace s4  }
0x96: {  	s4 =	sld [smem:$0x3FFD];
	_ =	sdelay $0x3  }
0x97: {  	_ =	strace s4  }
0x98: {  	_ =	strace $0x8FFFFFFF  }
0x99: {  	s19 =	sld [smem:$0x3FDB];
	_ =	sdelay $0x1  }
0x9a: {  	s5 =	simm.s32 $_scs_section_size  }
0x9b: {  	s6 =	simm.s32 $_size__tile_overlayer_lowered;
	s7 =	simm.s32 $_tile_overlayer_lowered  }
0x9c: {  	s22 =	simm.s32 $0x1BFF;
	s21 =	sshll.u32 s7, $0x1;
	s4 =	sadd.s32 s5, s19  }
0x9d: {  	s8 =	simm.s32 $0x0;
	s20 =	sshll.u32 s6, $0x1;
	s6 =	sadd.s32 s21, s4  }
0x9e: {  	[timem:s8], [sflag:s22] =	dma.local [hbm:s6], s20  }
0x9f: {  	_ =	swait.ge [sflag:s22], s20  }
0xa0: {  	s5 =	ssub.s32 $0x0, s20;
	[sflag:s22] =	ssyncset.done $0x0  }
0xa1: {  	[sflag:s22] =	ssyncadd.s32 s5;
	_ =	sdelay $0x1  }
0xa2: {  	s23 =	simm.s32 $0x1B8B  }
0xa3: {  	_ =	swait.ge [sflag:s23], $0x1  }
0xa4: {  	[sflag:s23] =	ssyncset.done $0x0  }
0xa5: {  	s25 =	simm.s32 $0x1B8E;
	s24 =	sld [smem:$0x3FFE];
	[sflag:s23] =	ssyncadd.s32 $0xFFFFFFFF  }
0xa6: {  	s26 =	simm.s32 $execute0_lowered;
	[smem:$0x3FD2] =	sst s25  }
0xa7: {  	s6 =	sshll.u32 s26, $0x1;
	_ =	strace $0x80000046;
	[dreg:$0x1] =	wrdreg $0xFFFFFFFF  }
0xa8: {  	s28 =	simm.s32 $_size_execute0_lowered;
	s4 =	sadd.s32 s4, s6;
	[dreg:$0x0] =	wrdreg $0x0  }
0xa9: {  	s6 =	sshll.u32 s28, $0x1;
	[dreg:$0x2] =	wrdreg s4  }
0xaa: {  	[dreg:$0x3] =	wrdreg s6  }
0xab: {  	[dreg:$0x4] =	wrdreg $0xC0  }
0xac: {  	_ =	task [dreg:s8], $0x5FFFF  }
0xad: {  	[dreg:$0x1] =	wrdreg $0xFFFFFFFF  }
0xae: {  	[dreg:$0x0] =	wrdreg $0x60  }
0xaf: {  	[dreg:$0x2] =	wrdreg s24  }
0xb0: {  	[dreg:$0x3] =	wrdreg s2  }
0xb1: {  	[dreg:$0x4] =	wrdreg s18  }
0xb2: {  	[dreg:$0x5] =	wrdreg $0x1C8000  }
0xb3: {  	[dreg:$0x6] =	wrdreg $0x9  }
0xb4: {  	_ =	task.clear_ibuf [dreg:s8], $0x7FFFF;
	_ =	strace $0x90000046  }
0xb5: {  	s29 =	simm.s32 $0x9;
	_ =	strace $0x80000048  }
0xb6: {  	_ =	swait.ge [sflag:s29], $0x1  }
0xb7: {  	[sflag:s29] =	ssyncadd.s32 $0xFFFFFFFF  }
0xb8: {  	_ =	strace $0x90000048  }
0xb9: {  	_ =	sfence  }
0xba: {  	s30 =	sld [smem:$0x0];
	_ =	sdelay $0x2  }
0xbb: {  	s31 =	sshll.u32 s1, $0xD;
	s1 =	sshrl.u32 s1, $0x2  }
0xbc: {  	s3 =	sand.u32 $0x4000, s31;
	s1 =	sadd.s32 s1, s30  }
0xbd: {  	s0 =	sor.u32 s3, s0;
	s1 =	sshll.u32 s1, $0x11  }
0xbe: {  	s0 =	sor.u32 s1, s0  }
0xbf: {  	s0 =	sadd.s32 $0x8F2B, s0  }
0xc0: {  	[sflag:s0] =	ssyncadd.remote.s32 $0x1  }
0xc1: {  	_ =	sfence.sel $0xFFFF  }
0xc2: {  	[dreg:$0x0] =	wrdreg $0xFFFFFFFF;
	(pc) =	sbr.abs _section_cstart, $3  }
0xc3: {  	[dreg:$0x1] =	wrdreg $0xFFFFFFFF  }
0xc4: {  	_ =	task.clear_ibuf [dreg:s8], $0x2FFFF;
	_ =	strace $0x9FFFFFFF  }
0xc5: {  	(tm) =	ssettm $0x7FFFFFFF  }
tec
execute0_lowered:
.L_overlay_start_1:
0x0: {  	(tag) =	ssettag $0x1  }
0x1: {  	s0 =	rddreg [dreg:$0x0]  }
0x2: {  	s1 =	rddreg [dreg:$0x2];
	s3 =	srdreg.scid  }
0x3: {  	s4 =	stileid.u32;
	s2 =	rddreg [dreg:$0x3]  }
0x4: {  	s11 =	simm.s32 $0x40;
	s28 =	simm.s32 $0x2;
	s29 =	simm.s32 $0x3  }
0x5: {  	s30 =	simm.s32 $0x4;
	s31 =	simm.s32 $0x5;
	s10 =	simm.s32 $0x8  }
0x6: {  	s13 =	simm.s32 $0xF;
	s15 =	simm.s32 $0x10;
	s14 =	simm.s32 $0x0  }
0x7: {  	s5 =	sand.u32 $0x1, s3;
	s6 =	sshll.u32 s4, $0x1;
	s3 =	simm.s32 $0x0  }
0x8: {  	s9 =	smul.u32 $0xC8000, s4;
	p0 =	sne.s32 s4, $0x0;
	s6 =	sor.u32 s5, s6  }
0x9: {  	[smem:$0x7FF] =	sst s3;
	s7 =	ssub.s32 $0x2, s5;
	s5 =	smul.u32 $0x64000, s5  }
0xa: {  	s4 =	simm.s32 $0x9;
	s6 =	smul.u32 $0x1900, s6;
	_ =	strace $0x80000047  }
0xb: {  	s8 =	sshrl.u32 s7, $0x1;
	s25 =	sadd.s32 s9, s1;
	s1 =	simm.s32 $0x6  }
0xc: {  	s9 =	simm.s32 $0xE;
	s23 =	ssub.s32 s7, s8;
	s0 =	sadd.s32 s6, s0  }
0xd: {  	s8 =	simm.s32 $0xC;
	s26 =	smax.u32 s23, $0x1;
	s24 =	sadd.s32 $0x400, s0  }
.Ltmp0:
0xe: {  	s0 =	sadd.s32 $0x480, s0;
	[dreg:$0x7] =	wrdreg s26;
	(pc) =	sbr.rel .LBB2_1-.Ltmp0, $4  }
0xf: {  	s7 =	simm.s32 $0xD;
	[dreg:$0x6] =	wrdreg s0;
	s0 =	sadd.s32 s5, s25  }
0x10: {  	s6 =	simm.s32 $0xB;
	[dreg:$0x5] =	wrdreg s24;
	s0 =	sadd.s32 $0x1C00, s0  }
0x11: {  	s26 =	simm.s32 $0x1;
	[dreg:$0x8] =	wrdreg s0;
	s0 =	sshrl.u32 @!p0 s2, $0x3  }
0x12: {  	s5 =	simm.s32 $0xA;
	[dreg:$0x9] =	wrdreg s0;
	s0 =	simm.s32 $0x7  }
.LBB2_5:
0x13: {  	_ =	swait.ge [sflag:s4], $0x2000  }
0x14: {  	[sflag:s4] =	ssyncset.done $0x0  }
0x15: {  	[sflag:s4] =	ssyncadd.s32 $0xFFFFE000  }
0x16: {  	_ =	swait.ge [sflag:s5], $0x2000  }
0x17: {  	[sflag:s5] =	ssyncset.done $0x0  }
0x18: {  	[sflag:s5] =	ssyncadd.s32 $0xFFFFE000  }
0x19: {  	_ =	swait.ge [sflag:s6], $0x2000  }
0x1a: {  	[sflag:s6] =	ssyncset.done $0x0  }
0x1b: {  	[sflag:s6] =	ssyncadd.s32 $0xFFFFE000  }
0x1c: {  	_ =	swait.ge [sflag:s8], $0x2000  }
0x1d: {  	[sflag:s8] =	ssyncset.done $0x0  }
0x1e: {  	[sflag:s8] =	ssyncadd.s32 $0xFFFFE000  }
0x1f: {  	_ =	swait.ge [sflag:s7], $0x2000  }
0x20: {  	[sflag:s7] =	ssyncset.done $0x0  }
0x21: {  	[sflag:s7] =	ssyncadd.s32 $0xFFFFE000  }
0x22: {  	_ =	swait.ge [sflag:s9], $0x2000  }
0x23: {  	[sflag:s9] =	ssyncset.done $0x0  }
0x24: {  	[sflag:s9] =	ssyncadd.s32 $0xFFFFE000  }
0x25: {  	_ =	swait.ge [sflag:s13], $0x2000  }
0x26: {  	[sflag:s13] =	ssyncset.done $0x0  }
0x27: {  	[sflag:s13] =	ssyncadd.s32 $0xFFFFE000  }
0x28: {  	_ =	swait.ge [sflag:s15], $0x2000  }
0x29: {  	s14 =	rddreg [dreg:$0xa]  }
0x2a: {  	s12 =	rddreg [dreg:$0x7];
	s14 =	sadd.s32 $0x1, s14  }
0x2b: {  	p1 =	sne.s32 s14, s12  }
.Ltmp1:
0x2c: {  	_ = 	snop;
	(pc) =	sbr.rel @!p1 .LBB2_6-.Ltmp1, $3  }
0x2d: {  	_ =	sdelay $0x1  }
0x2e: {  	[sflag:s15] =	ssyncset.done $0x0  }
0x2f: {  	[sflag:s15] =	ssyncadd.s32 $0xFFFFE000  }
.LBB2_1:
0x30: {  	[dreg:$0xa] =	wrdreg s14  }
0x31: {  	s12 =	rddreg [dreg:$0x1]  }
0x32: {  	s17 =	simm.s32 @!p0 $0x1C12;
	s19 =	rddreg [dreg:$0x9]  }
0x33: {  	[spmem:s19], [sflag:s17] =	dma.local @!p0 [hbm:s12], $0x140  }
0x34: {  	s17 =	simm.s32 @!p0 $0x12  }
0x35: {  	_ =	swait.ge @!p0 [sflag:s17], $0x140  }
0x36: {  	[sflag:s17] =	ssyncset.done @!p0 $0x0  }
0x37: {  	s23 =	simm.s32 $0x12;
	s22 =	rddreg [dreg:$0x5];
	[sflag:s17] =	ssyncadd.s32 @!p0 $0xFFFFFEC0  }
0x38: {  	[tilespmem:s3], [sflag:$0x12] =	stream.linear.gather [hbm4b:s22+s3], $0x400, $0x38;
	[tilespmem:$0x1C8A0] =	vst v63  }
0x39: {  	_ =	swait.ge [sflag:s23], $0x400  }
.Ltmp2:
0x3a: {  	[sflag:s23] =	ssyncset.done $0x0;
	(pc) =	sbr.rel .LBB2_2-.Ltmp2, $4  }
0x3b: {  	s25 =	simm.s32 $0x400;
	s24 =	rddreg [dreg:$0x6];
	[sflag:s23] =	ssyncadd.s32 $0xFFFFFC00  }
0x3c: {  	[tilespmem:s25], [sflag:$0x11] =	stream.linear.gather [hbm4b:s24+s3], $0xC400, $0x38;
	[tilespmem:$0x1C8A0] =	vst v63  }
0x3d: {  	[bflag:$0x0] =	sbarrier.arrive $0xFFFF  }
0x3e: {  	s17 =	simm.s32 $0x0;
	s23 =	simm.s32 $0x0;
	s19 =	rddreg [dreg:$0x8]  }
.LBB2_3:
0x3f: {  	p1 =	sne.s32 s23, $0x1  }
0x40: {  	s21 =	simm.s32 @!p1 $0x11  }
0x41: {  	_ =	swait.ge @!p1 [sflag:s21], $0xC400  }
0x42: {  	[sflag:s21] =	ssyncset.done @!p1 $0x0  }
0x43: {  	[sflag:s21] =	ssyncadd.s32 @!p1 $0xFFFF3C00  }
0x44: {  	_ =	swait.ge [sflag:s4], $0x2000  }
0x45: {  	[sflag:s4] =	ssyncset.done $0x0  }
0x46: {  	s14 =	simm.s32 $0xC800;
	s21 =	sshra.s32 s17, $0x2;
	[sflag:s4] =	ssyncadd.s32 $0xFFFFE000  }
0x47: {  	[tilespmem:s14], [sflag:$0x1] =	stream.indirect.gather [spmem:s2], $0x80, s21, s11, $0xb8;
	[tilespmem:$0x1C8A0] =	vst v63  }
0x48: {  	_ =	swait.ge [sflag:s5], $0x2000  }
0x49: {  	[sflag:s5] =	ssyncset.done $0x0  }
0x4a: {  	s16 =	simm.s32 $0xE800;
	s12 =	sadd.s32 $0x80, s21;
	[sflag:s5] =	ssyncadd.s32 $0xFFFFE000  }
0x4b: {  	[tilespmem:s16], [sflag:$0x2] =	stream.indirect.gather [spmem:s2], $0x80, s12, s11, $0xb8;
	[tilespmem:$0x1C8A0] =	vst v63  }
0x4c: {  	_ =	swait.ge [sflag:s6], $0x2000  }
0x4d: {  	[sflag:s6] =	ssyncset.done $0x0  }
0x4e: {  	s18 =	simm.s32 $0x10800;
	s20 =	sadd.s32 $0x100, s21;
	[sflag:s6] =	ssyncadd.s32 $0xFFFFE000  }
0x4f: {  	[tilespmem:s18], [sflag:$0x3] =	stream.indirect.gather [spmem:s2], $0x80, s20, s11, $0xb8;
	[tilespmem:$0x1C8A0] =	vst v63  }
0x50: {  	_ =	swait.ge [sflag:s8], $0x2000  }
0x51: {  	[sflag:s8] =	ssyncset.done $0x0  }
0x52: {  	s22 =	sadd.s32 $0x180, s21;
	s20 =	simm.s32 $0x12800;
	[sflag:s8] =	ssyncadd.s32 $0xFFFFE000  }
0x53: {  	[tilespmem:s20], [sflag:$0x4] =	stream.indirect.gather [spmem:s2], $0x80, s22, s11, $0xb8;
	[tilespmem:$0x1C8A0] =	vst v63  }
0x54: {  	_ =	swait.ge [sflag:s7], $0x2000  }
0x55: {  	[sflag:s7] =	ssyncset.done $0x0  }
0x56: {  	s24 =	sadd.s32 $0x200, s21;
	s22 =	simm.s32 $0x14800;
	[sflag:s7] =	ssyncadd.s32 $0xFFFFE000  }
0x57: {  	[tilespmem:s22], [sflag:$0x5] =	stream.indirect.gather [spmem:s2], $0x80, s24, s11, $0xb8;
	[tilespmem:$0x1C8A0] =	vst v63  }
0x58: {  	_ =	swait.ge [sflag:s9], $0x2000  }
0x59: {  	[sflag:s9] =	ssyncset.done $0x0  }
0x5a: {  	s25 =	sadd.s32 $0x280, s21;
	s24 =	simm.s32 $0x16800;
	[sflag:s9] =	ssyncadd.s32 $0xFFFFE000  }
0x5b: {  	[tilespmem:s24], [sflag:$0x6] =	stream.indirect.gather [spmem:s2], $0x80, s25, s11, $0xb8;
	[tilespmem:$0x1C8A0] =	vst v63  }
0x5c: {  	_ =	swait.ge [sflag:s13], $0x2000  }
0x5d: {  	[sflag:s13] =	ssyncset.done $0x0  }
0x5e: {  	s21 =	sadd.s32 $0x300, s21;
	s25 =	simm.s32 $0x18800;
	[sflag:s13] =	ssyncadd.s32 $0xFFFFE000  }
0x5f: {  	[tilespmem:s25], [sflag:$0x7] =	stream.indirect.gather [spmem:s2], $0x80, s21, s11, $0xb8;
	[tilespmem:$0x1C8A0] =	vst v63  }
0x60: {  	_ =	swait.ge [sflag:s15], $0x2000  }
0x61: {  	[sflag:s15] =	ssyncset.done $0x0  }
0x62: {  	s21 =	smov.u32 s17;
	[sflag:s15] =	ssyncadd.s32 $0xFFFFE000  }
.LBB2_4:
0x63: {  	s12 =	sshra.s32 s21, $0x2  }
0x64: {  	s21 =	simm.s32 $0x1A800;
	s12 =	sadd.s32 $0x380, s12  }
0x65: {  	[tilespmem:s21], [sflag:$0x8] =	stream.indirect.gather [spmem:s2], $0x80, s12, s11, $0xb8;
	[tilespmem:$0x1C8A0] =	vst v63  }
0x66: {  	_ =	swait.ge [sflag:s26], $0x2000  }
0x67: {  	[sflag:s26] =	ssyncset.done $0x0  }
0x68: {  	s12 =	sadd.s32 $0xFFFFE400, s19;
	[sflag:s26] =	ssyncadd.s32 $0xFFFFE000  }
0x69: {  	[hbm4b:s12+s3] =	stream.linear.scatter [tilespmem:s14], [sflag:$0x9], $0x2000, $0x38;
	[tilespmem:$0x1C8A0] =	vst v63  }
0x6a: {  	_ =	swait.ge [sflag:s28], $0x2000  }
0x6b: {  	[sflag:s28] =	ssyncset.done $0x0  }
0x6c: {  	s14 =	sadd.s32 $0xFFFFE800, s19;
	[sflag:s28] =	ssyncadd.s32 $0xFFFFE000  }
0x6d: {  	[hbm4b:s14+s3] =	stream.linear.scatter [tilespmem:s16], [sflag:$0xA], $0x2000, $0x38;
	[tilespmem:$0x1C8A0] =	vst v63  }
0x6e: {  	_ =	swait.ge [sflag:s29], $0x2000  }
0x6f: {  	[sflag:s29] =	ssyncset.done $0x0  }
0x70: {  	s16 =	sadd.s32 $0xFFFFEC00, s19;
	[sflag:s29] =	ssyncadd.s32 $0xFFFFE000  }
0x71: {  	[hbm4b:s16+s3] =	stream.linear.scatter [tilespmem:s18], [sflag:$0xB], $0x2000, $0x38;
	[tilespmem:$0x1C8A0] =	vst v63  }
0x72: {  	_ =	swait.ge [sflag:s30], $0x2000  }
0x73: {  	[sflag:s30] =	ssyncset.done $0x0  }
0x74: {  	s18 =	sadd.s32 $0xFFFFF000, s19;
	[sflag:s30] =	ssyncadd.s32 $0xFFFFE000  }
0x75: {  	[hbm4b:s18+s3] =	stream.linear.scatter [tilespmem:s20], [sflag:$0xC], $0x2000, $0x38;
	[tilespmem:$0x1C8A0] =	vst v63  }
0x76: {  	_ =	swait.ge [sflag:s31], $0x2000  }
0x77: {  	[sflag:s31] =	ssyncset.done $0x0  }
0x78: {  	s20 =	sadd.s32 $0xFFFFF400, s19;
	[sflag:s31] =	ssyncadd.s32 $0xFFFFE000  }
0x79: {  	[hbm4b:s20+s3] =	stream.linear.scatter [tilespmem:s22], [sflag:$0xD], $0x2000, $0x38;
	[tilespmem:$0x1C8A0] =	vst v63  }
0x7a: {  	_ =	swait.ge [sflag:s1], $0x2000  }
0x7b: {  	[sflag:s1] =	ssyncset.done $0x0  }
0x7c: {  	s22 =	sadd.s32 $0xFFFFF800, s19;
	[sflag:s1] =	ssyncadd.s32 $0xFFFFE000  }
0x7d: {  	[hbm4b:s22+s3] =	stream.linear.scatter [tilespmem:s24], [sflag:$0xE], $0x2000, $0x38;
	[tilespmem:$0x1C8A0] =	vst v63  }
0x7e: {  	_ =	swait.ge [sflag:s0], $0x2000  }
0x7f: {  	s17 =	sadd.s32 $0x1000, s17;
	[sflag:s0] =	ssyncset.done $0x0  }
0x80: {  	p1 =	sne.s32 s17, $0x32000;
	s24 =	sadd.s32 $0xFFFFFC00, s19;
	[sflag:s0] =	ssyncadd.s32 $0xFFFFE000  }
0x81: {  	[hbm4b:s24+s3] =	stream.linear.scatter [tilespmem:s25], [sflag:$0xF], $0x2000, $0x38;
	[tilespmem:$0x1C8A0] =	vst v63  }
.Ltmp3:
0x82: {  	_ =	swait.ge [sflag:s10], $0x2000;
	(pc) =	sbr.rel @!p1 .LBB2_5-.Ltmp3, $4  }
0x83: {  	[sflag:s10] =	ssyncset.done $0x0  }
0x84: {  	[sflag:s10] =	ssyncadd.s32 $0xFFFFE000  }
0x85: {  	[hbm4b:s19+s3] =	stream.linear.scatter [tilespmem:s21], [sflag:$0x10], $0x2000, $0x38;
	[tilespmem:$0x1C8A0] =	vst v63  }
0x86: {  	s23 =	sadd.s32 $0x1, s23;
	s19 =	sadd.s32 $0x2000, s19  }
.LBB2_2:
0x87: {  	p1 =	seq.s32 s23, $0x0  }
.Ltmp4:
0x88: {  	_ = 	snop;
	(pc) =	sbr.rel @!p1 .LBB2_3-.Ltmp4, $1  }
0x89: {  	_ =	sdelay $0x3  }
0x8a: {  	s21 =	simm.s32 $0x0;
	s14 =	simm.s32 $0xC800  }
0x8b: {  	[tilespmem:s14], [sflag:$0x1] =	stream.indirect.gather [spmem:s2], $0x80, s21, s11, $0xb8;
	[tilespmem:$0x1C8A0] =	vst v63  }
0x8c: {  	s16 =	simm.s32 $0xE800;
	s12 =	simm.s32 $0x80  }
0x8d: {  	[tilespmem:s16], [sflag:$0x2] =	stream.indirect.gather [spmem:s2], $0x80, s12, s11, $0xb8;
	[tilespmem:$0x1C8A0] =	vst v63  }
0x8e: {  	s18 =	simm.s32 $0x10800;
	s12 =	simm.s32 $0x100  }
0x8f: {  	[tilespmem:s18], [sflag:$0x3] =	stream.indirect.gather [spmem:s2], $0x80, s12, s11, $0xb8;
	[tilespmem:$0x1C8A0] =	vst v63  }
0x90: {  	s20 =	simm.s32 $0x12800;
	s12 =	simm.s32 $0x180  }
0x91: {  	[tilespmem:s20], [sflag:$0x4] =	stream.indirect.gather [spmem:s2], $0x80, s12, s11, $0xb8;
	[tilespmem:$0x1C8A0] =	vst v63  }
0x92: {  	s22 =	simm.s32 $0x14800;
	s12 =	simm.s32 $0x200  }
0x93: {  	[tilespmem:s22], [sflag:$0x5] =	stream.indirect.gather [spmem:s2], $0x80, s12, s11, $0xb8;
	[tilespmem:$0x1C8A0] =	vst v63  }
.Ltmp5:
0x94: {  	_ = 	snop;
	(pc) =	sbr.rel .LBB2_4-.Ltmp5, $4  }
0x95: {  	s24 =	simm.s32 $0x16800;
	s12 =	simm.s32 $0x280  }
0x96: {  	[tilespmem:s24], [sflag:$0x6] =	stream.indirect.gather [spmem:s2], $0x80, s12, s11, $0xb8;
	[tilespmem:$0x1C8A0] =	vst v63  }
0x97: {  	s25 =	simm.s32 $0x18800;
	s12 =	simm.s32 $0x300  }
0x98: {  	[tilespmem:s25], [sflag:$0x7] =	stream.indirect.gather [spmem:s2], $0x80, s12, s11, $0xb8;
	[tilespmem:$0x1C8A0] =	vst v63  }
.LBB2_6:
0x99: {  	_ =	sfence.sel $0x180000  }
0x9a: {  	[bflag:$0x0] =	sbarrier.arrive $0xFFFF  }
0x9b: {  	_ =	strace $0x90000047  }
0x9c: {  	[bflag:$0x2] =	sbarrier.arrive $0xFFFF  }
0x9d: {  	s0 =	rddreg [dreg:$0x4]  }
0x9e: {  	s0 =	sadd.s32 @!p0 $0x100000, s0  }
0x9f: {  	[sflag:s0] =	ssyncadd.tile.s32 @!p0 $0x1;
	_ =	shalt  }
.Lfunc_end2:
_tile_overlayer_lowered:
.L_overlay_start_2:
0xa0: {  	(tag) =	ssettag $0x2  }
0xa1: {  	s0 =	rddreg [dreg:$0x0];
	s2 =	stileid.u32  }
0xa2: {  	s1 =	rddreg [dreg:$0x1];
	p0 =	sne.s32 s2, $0x0  }
0xa3: {  	s3 =	rddreg [dreg:$0x2];
	[bflag:$0x3] =	sbarrier.arrive $0xFFFF;
	s2 =	simm.s32 @!p0 $0x1C12  }
0xa4: {  	[timem:s3], [sflag:s2] =	dma.local @!p0 [hbm:s0], s1  }
0xa5: {  	s0 =	simm.s32 @!p0 $0x12  }
0xa6: {  	_ =	swait.ge @!p0 [sflag:s0], s1  }
0xa7: {  	s1 =	ssub.s32 @!p0 $0x0, s1;
	[sflag:s0] =	ssyncset.done @!p0 $0x0  }
0xa8: {  	[sflag:s0] =	ssyncadd.s32 @!p0 s1  }
0xa9: {  	[bflag:$0x3] =	sbarrier.arrive $0xFFFF  }
0xaa: {  	_ =	shalt  }

</sc_bundles>
